<compile_context>
chip_gen: v7x
topology: tpu7x:2x2x1
jax: 0.10.2.dev20260603
libtpu: 0.0.44.dev20260713+nightly
codegen_flags: <defaults>
</compile_context>

<pallas_src>
import functools

import jax
import jax.numpy as jnp
from jax import lax
from jax.experimental import pallas as pl
from jax.experimental.pallas import tpu as pltpu
from jax.experimental.pallas import tpu_sc as plsc

SEQ_LEN = 200
IDX_PER_TILE = 8
NUM_TILES = 16
NUM_CORES = 2
ACTIVE_PER_CORE = 13
LAST_BASE = SEQ_LEN - IDX_PER_TILE
EMBED_DIM = 64
LANES = 16
SLAB = 128
NCHUNK = EMBED_DIM // LANES


def _sc_gather(tt_hbm, x_hbm, out0_hbm, out1_hbm,
               idx_v, slabs_v, lmax_v, tmp_v, out_v, sem, *shared):
    cid = lax.axis_index("c")
    sid = lax.axis_index("s")
    wid = sid * NUM_CORES + cid

    @pl.when(sid < ACTIVE_PER_CORE)
    def _gather_and_local_max():
        base = jnp.minimum(wid * IDX_PER_TILE, LAST_BASE)
        pltpu.sync_copy(x_hbm.at[pl.ds(base, IDX_PER_TILE)], idx_v)
        lanes = lax.iota(jnp.int32, LANES)
        iv = plsc.load_gather(idx_v, [jnp.minimum(lanes, IDX_PER_TILE - 1)])
        sv0 = jnp.bitwise_and(iv, SLAB - 1)
        bv = iv - sv0
        handles = [
            pltpu.async_copy(
                tt_hbm.at[:, pl.ds(pl.multiple_of(bv[q], SLAB), SLAB)],
                slabs_v.at[q], sem)
            for q in range(IDX_PER_TILE)
        ]
        for h in handles:
            h.wait()

        acc = [None] * NCHUNK
        for q in range(IDX_PER_TILE):
            i0 = jnp.broadcast_to(jnp.int32(q), (LANES,))
            i2 = jnp.broadcast_to(sv0[q], (LANES,))
            for c in range(NCHUNK):
                g = plsc.load_gather(slabs_v, [i0, c * LANES + lanes, i2])
                acc[c] = g if acc[c] is None else jnp.maximum(acc[c], g)
        for c in range(NCHUNK):
            lmax_v[pl.ds(c * LANES, LANES)] = acc[c]
        for k in range(ACTIVE_PER_CORE):
            @pl.when(sid == k)
            def _stage(k=k):
                pltpu.sync_copy(lmax_v, shared[k])

    plsc.subcore_barrier()

    @pl.when(sid == 0)
    def _reduce():
        gacc = [None] * NCHUNK
        for k in range(ACTIVE_PER_CORE):
            pltpu.sync_copy(shared[k], tmp_v)
            for c in range(NCHUNK):
                t = tmp_v[pl.ds(c * LANES, LANES)]
                gacc[c] = t if gacc[c] is None else jnp.maximum(gacc[c], t)
        for c in range(NCHUNK):
            out_v[0, pl.ds(c * LANES, LANES)] = gacc[c]

        @pl.when(cid == 0)
        def _w0():
            pltpu.sync_copy(out_v, out0_hbm)

        @pl.when(cid == 1)
        def _w1():
            pltpu.sync_copy(out_v, out1_hbm)


def _tc_combine(p0_ref, p1_ref, wt_ref, b_ref, o_ref):
    p = jnp.maximum(p0_ref[...], p1_ref[...])
    o_ref[...] = jnp.dot(
        p, wt_ref[...], preferred_element_type=jnp.float32) + b_ref[...]


@jax.jit
def _run(xf, tt, wtr, br):
    mesh = plsc.VectorSubcoreMesh(core_axis_name="c", subcore_axis_name="s")
    gather = functools.partial(
        pl.kernel,
        mesh=mesh,
        out_type=(jax.ShapeDtypeStruct((1, EMBED_DIM), jnp.float32),
                  jax.ShapeDtypeStruct((1, EMBED_DIM), jnp.float32)),
        compiler_params=pltpu.CompilerParams(needs_layout_passes=False),
        scratch_types=[
            pltpu.VMEM((IDX_PER_TILE,), jnp.int32),
            pltpu.VMEM((IDX_PER_TILE, EMBED_DIM, SLAB), jnp.float32),
            pltpu.VMEM((EMBED_DIM,), jnp.float32),
            pltpu.VMEM((EMBED_DIM,), jnp.float32),
            pltpu.VMEM((1, EMBED_DIM), jnp.float32),
            pltpu.SemaphoreType.DMA,
        ] + [pltpu.VMEM_SHARED((EMBED_DIM,), jnp.float32)
             for _ in range(NUM_TILES)],
    )(_sc_gather)
    p0, p1 = gather(tt, xf)
    out = pl.pallas_call(
        _tc_combine,
        out_shape=jax.ShapeDtypeStruct((1, 10), jnp.float32),
    )(p0, p1, wtr, br)
    return out


def kernel(x, table, W, b):
    xf = x.reshape(-1).astype(jnp.int32)
    return _run(xf, table.T, W.T, b.reshape(1, -1))

# --- scband reference (transcript-rebuilt; emitter-appended) ---
"""Pipeline reference for scband-model-80934363726157 (READ-ONLY COPY).

The authoritative reference and input builder live on the scoring server;
editing this copy changes nothing except your own understanding.
"""

import jax, jax.numpy as jnp
import numpy as np

EMBED_NUM = 1000000
EMBED_DIM = 64
LABEL_SIZE = 10
SEQ_LEN = 200


def setup_inputs(seed: int = 0) -> dict:
    key = jax.random.key(seed)
    k1, k2, k3 = jax.random.split(key, 3)
    x = jax.random.randint(k1, (1, SEQ_LEN), 0, EMBED_NUM, dtype=jnp.int32)
    table = jax.random.normal(k2, (EMBED_NUM, EMBED_DIM), dtype=jnp.float32)
    W = jax.random.normal(k3, (LABEL_SIZE, EMBED_DIM), dtype=jnp.float32) * 0.02
    b = jnp.zeros((LABEL_SIZE,), dtype=jnp.float32)
    return {"x": x, "table": table, "W": W, "b": b}


def reference(x, table, W, b):
    # embedding lookup: [1, L] -> [1, L, D]
    emb = jnp.take(table, x, axis=0)
    # F.max_pool1d(x.permute(0,2,1), L) == max over the sequence dimension -> [1, D, 1]
    pooled = jnp.max(emb, axis=1)  # [1, D] (after the .view(1, D))
    # Linear layer
    out = pooled @ W.T + b  # [1, LABEL_SIZE]
    return out

if __name__ == "__main__":
    import jax
    _d = setup_inputs()
    print(jax.jit(kernel)(*tuple(_d.values())))

</pallas_src>

<mosaic_0001>
#map = affine_map<(d0, d1) -> (0, 0)>
#map1 = affine_map<(d0, d1) -> (0)>
module attributes {stable_mosaic.version = 14 : i64} {
  func.func @_sc_gather(%arg0: i32, %arg1: i32, %arg2: memref<64x1000000xf32, #tpu.memory_space<hbm>>, %arg3: memref<200xi32, #tpu.memory_space<hbm>>, %arg4: memref<1x64xf32, #tpu.memory_space<hbm>>, %arg5: memref<1x64xf32, #tpu.memory_space<hbm>>, %arg6: memref<8xi32, #tpu.memory_space<vmem>>, %arg7: memref<8x64x128xf32, #tpu.memory_space<vmem>>, %arg8: memref<64xf32, #tpu.memory_space<vmem>>, %arg9: memref<64xf32, #tpu.memory_space<vmem>>, %arg10: memref<1x64xf32, #tpu.memory_space<vmem>>, %arg11: memref<!tpu.dma_semaphore, #tpu.memory_space<semaphore_mem>>, %arg12: memref<64xf32, #tpu.memory_space<vmem_shared>>, %arg13: memref<64xf32, #tpu.memory_space<vmem_shared>>, %arg14: memref<64xf32, #tpu.memory_space<vmem_shared>>, %arg15: memref<64xf32, #tpu.memory_space<vmem_shared>>, %arg16: memref<64xf32, #tpu.memory_space<vmem_shared>>, %arg17: memref<64xf32, #tpu.memory_space<vmem_shared>>, %arg18: memref<64xf32, #tpu.memory_space<vmem_shared>>, %arg19: memref<64xf32, #tpu.memory_space<vmem_shared>>, %arg20: memref<64xf32, #tpu.memory_space<vmem_shared>>, %arg21: memref<64xf32, #tpu.memory_space<vmem_shared>>, %arg22: memref<64xf32, #tpu.memory_space<vmem_shared>>, %arg23: memref<64xf32, #tpu.memory_space<vmem_shared>>, %arg24: memref<64xf32, #tpu.memory_space<vmem_shared>>, %arg25: memref<64xf32, #tpu.memory_space<vmem_shared>>, %arg26: memref<64xf32, #tpu.memory_space<vmem_shared>>, %arg27: memref<64xf32, #tpu.memory_space<vmem_shared>>) attributes {dimension_semantics = [#tpu.dimension_semantics<core_parallel>, #tpu.dimension_semantics<subcore_parallel>], iteration_bounds = array<i64: 2, 16>, scalar_prefetch = 0 : i64, scratch_operands = 22 : i64, tpu.core_type = #tpu.core_type<sc_vector_subcore>, window_params = [{transform_indices = #map}, {transform_indices = #map1}, {transform_indices = #map}, {transform_indices = #map}]} {
    %mul3A = arith.constant 2 : i32
    %mul3A_0 = arith.muli %arg1, %mul3A : i32
    %add3A = arith.addi %mul3A_0, %arg0 : i32
    %lt3A = arith.constant 13 : i32
    %lt3A_1 = arith.cmpi slt, %arg1, %lt3A : i32
    %convert_element_type3A = arith.extui %lt3A_1 : i1 to i32
    %cond3A = arith.constant 0 : i32
    %cond3A_2 = arith.cmpi ne, %convert_element_type3A, %cond3A : i32
    scf.if %cond3A_2 {
      %mul3A_7 = arith.constant 8 : i32
      %mul3A_8 = arith.muli %add3A, %mul3A_7 : i32
      %min3A = arith.constant 192 : i32
      %min3A_9 = arith.minsi %mul3A_8, %min3A : i32
      "tpu.region"() ({
        %run_scoped3A = tpu.sem_alloc : memref<!tpu.dma_semaphore, #tpu.memory_space<semaphore_mem>>
        %dma_start3A_508 = tpu.memref_slice %arg3[%min3A_9] : memref<200xi32, #tpu.memory_space<hbm>> -> memref<8xi32, #tpu.memory_space<hbm>>
        %dma_start3A_509 = tpu.memref_slice %arg3[%min3A_9] : memref<200xi32, #tpu.memory_space<hbm>> -> memref<8xi32, #tpu.memory_space<hbm>>
        tpu.enqueue_dma source(%dma_start3A_509 : memref<8xi32, #tpu.memory_space<hbm>>) target(%arg6 : memref<8xi32, #tpu.memory_space<vmem>>) target_semaphore(%run_scoped3A : memref<!tpu.dma_semaphore, #tpu.memory_space<semaphore_mem>>)
        %dma_wait3A_510 = tpu.memref_slice %arg3[%min3A_9] : memref<200xi32, #tpu.memory_space<hbm>> -> memref<8xi32, #tpu.memory_space<hbm>>
        %dma_wait3A_511 = tpu.memref_slice %arg3[%min3A_9] : memref<200xi32, #tpu.memory_space<hbm>> -> memref<8xi32, #tpu.memory_space<hbm>>
        tpu.wait_dma2 semaphore(%run_scoped3A : memref<!tpu.dma_semaphore, #tpu.memory_space<semaphore_mem>>) src(%dma_wait3A_511 : memref<8xi32, #tpu.memory_space<hbm>>) dst(%arg6 : memref<8xi32, #tpu.memory_space<vmem>>)
        tpu.yield
      }) : () -> ()
      %iota3A = tpu.iota {dimensions = array<i32: 0>} : vector<16xi32>
      %min3A_10 = arith.constant 7 : i32
      %min3A_11 = vector.broadcast %min3A_10 : i32 to vector<16xi32>
      %min3A_12 = arith.minsi %iota3A, %min3A_11 : vector<16xi32>
      %gather3A = tpu.vector_load_idx %arg6[%min3A_12] : memref<8xi32, #tpu.memory_space<vmem>>[vector<16xi32>], vector<16xi32>,
      %and3A = arith.constant 127 : i32
      %and3A_13 = vector.broadcast %and3A : i32 to vector<16xi32>
      %and3A_14 = arith.andi %gather3A, %and3A_13 : vector<16xi32>
      %sub3A = arith.subi %gather3A, %and3A_14 : vector<16xi32>
      %slice3A = vector.extract_strided_slice %sub3A {offsets = [0], sizes = [1], strides = [1]} : vector<16xi32> to vector<1xi32>
      %squeeze3A = vector.extract %slice3A[0] : i32 from vector<1xi32>
      %multiple_of3A = tpu.assume_multiple %squeeze3A, 128 : i32
      %dma_start3A = arith.constant 0 : i32
      %dma_start3A_15 = arith.constant 0 : i32
      %dma_start3A_16 = arith.constant 0 : i32
      %dma_start3A_17 = tpu.memref_slice %arg7[%dma_start3A, %dma_start3A_15, %dma_start3A_16] : memref<8x64x128xf32, #tpu.memory_space<vmem>> -> memref<1x64x128xf32, #tpu.memory_space<vmem>>
      %dma_start3A_18 = tpu.memref_squeeze %dma_start3A_17 : memref<1x64x128xf32, #tpu.memory_space<vmem>> -> memref<64x128xf32, #tpu.memory_space<vmem>>
      %dma_start3A_19 = arith.constant 0 : i32
      %dma_start3A_20 = tpu.memref_slice %arg2[%dma_start3A_19, %multiple_of3A] : memref<64x1000000xf32, #tpu.memory_space<hbm>> -> memref<64x128xf32, #tpu.memory_space<hbm>>
      %dma_start3A_21 = arith.constant 0 : i32
      %dma_start3A_22 = arith.constant 0 : i32
      %dma_start3A_23 = tpu.memref_slice %arg7[%dma_start3A, %dma_start3A_21, %dma_start3A_22] : memref<8x64x128xf32, #tpu.memory_space<vmem>> -> memref<1x64x128xf32, #tpu.memory_space<vmem>>
      %dma_start3A_24 = tpu.memref_squeeze %dma_start3A_23 : memref<1x64x128xf32, #tpu.memory_space<vmem>> -> memref<64x128xf32, #tpu.memory_space<vmem>>
      %dma_start3A_25 = arith.constant 0 : i32
      %dma_start3A_26 = tpu.memref_slice %arg2[%dma_start3A_25, %multiple_of3A] : memref<64x1000000xf32, #tpu.memory_space<hbm>> -> memref<64x128xf32, #tpu.memory_space<hbm>>
      tpu.enqueue_dma source(%dma_start3A_26 : memref<64x128xf32, #tpu.memory_space<hbm>>) target(%dma_start3A_24 : memref<64x128xf32, #tpu.memory_space<vmem>>) target_semaphore(%arg11 : memref<!tpu.dma_semaphore, #tpu.memory_space<semaphore_mem>>)
      %slice3A_27 = vector.extract_strided_slice %sub3A {offsets = [1], sizes = [1], strides = [1]} : vector<16xi32> to vector<1xi32>
      %squeeze3A_28 = vector.extract %slice3A_27[0] : i32 from vector<1xi32>
      %multiple_of3A_29 = tpu.assume_multiple %squeeze3A_28, 128 : i32
      %dma_start3A_30 = arith.constant 1 : i32
      %dma_start3A_31 = arith.constant 0 : i32
      %dma_start3A_32 = arith.constant 0 : i32
      %dma_start3A_33 = tpu.memref_slice %arg7[%dma_start3A_30, %dma_start3A_31, %dma_start3A_32] : memref<8x64x128xf32, #tpu.memory_space<vmem>> -> memref<1x64x128xf32, #tpu.memory_space<vmem>>
      %dma_start3A_34 = tpu.memref_squeeze %dma_start3A_33 : memref<1x64x128xf32, #tpu.memory_space<vmem>> -> memref<64x128xf32, #tpu.memory_space<vmem>>
      %dma_start3A_35 = arith.constant 0 : i32
      %dma_start3A_36 = tpu.memref_slice %arg2[%dma_start3A_35, %multiple_of3A_29] : memref<64x1000000xf32, #tpu.memory_space<hbm>> -> memref<64x128xf32, #tpu.memory_space<hbm>>
      %dma_start3A_37 = arith.constant 0 : i32
      %dma_start3A_38 = arith.constant 0 : i32
      %dma_start3A_39 = tpu.memref_slice %arg7[%dma_start3A_30, %dma_start3A_37, %dma_start3A_38] : memref<8x64x128xf32, #tpu.memory_space<vmem>> -> memref<1x64x128xf32, #tpu.memory_space<vmem>>
      %dma_start3A_40 = tpu.memref_squeeze %dma_start3A_39 : memref<1x64x128xf32, #tpu.memory_space<vmem>> -> memref<64x128xf32, #tpu.memory_space<vmem>>
      %dma_start3A_41 = arith.constant 0 : i32
      %dma_start3A_42 = tpu.memref_slice %arg2[%dma_start3A_41, %multiple_of3A_29] : memref<64x1000000xf32, #tpu.memory_space<hbm>> -> memref<64x128xf32, #tpu.memory_space<hbm>>
      tpu.enqueue_dma source(%dma_start3A_42 : memref<64x128xf32, #tpu.memory_space<hbm>>) target(%dma_start3A_40 : memref<64x128xf32, #tpu.memory_space<vmem>>) target_semaphore(%arg11 : memref<!tpu.dma_semaphore, #tpu.memory_space<semaphore_mem>>)
      %slice3A_43 = vector.extract_strided_slice %sub3A {offsets = [2], sizes = [1], strides = [1]} : vector<16xi32> to vector<1xi32>
      %squeeze3A_44 = vector.extract %slice3A_43[0] : i32 from vector<1xi32>
      %multiple_of3A_45 = tpu.assume_multiple %squeeze3A_44, 128 : i32
      %dma_start3A_46 = arith.constant 2 : i32
      %dma_start3A_47 = arith.constant 0 : i32
      %dma_start3A_48 = arith.constant 0 : i32
      %dma_start3A_49 = tpu.memref_slice %arg7[%dma_start3A_46, %dma_start3A_47, %dma_start3A_48] : memref<8x64x128xf32, #tpu.memory_space<vmem>> -> memref<1x64x128xf32, #tpu.memory_space<vmem>>
      %dma_start3A_50 = tpu.memref_squeeze %dma_start3A_49 : memref<1x64x128xf32, #tpu.memory_space<vmem>> -> memref<64x128xf32, #tpu.memory_space<vmem>>
      %dma_start3A_51 = arith.constant 0 : i32
      %dma_start3A_52 = tpu.memref_slice %arg2[%dma_start3A_51, %multiple_of3A_45] : memref<64x1000000xf32, #tpu.memory_space<hbm>> -> memref<64x128xf32, #tpu.memory_space<hbm>>
      %dma_start3A_53 = arith.constant 0 : i32
      %dma_start3A_54 = arith.constant 0 : i32
      %dma_start3A_55 = tpu.memref_slice %arg7[%dma_start3A_46, %dma_start3A_53, %dma_start3A_54] : memref<8x64x128xf32, #tpu.memory_space<vmem>> -> memref<1x64x128xf32, #tpu.memory_space<vmem>>
      %dma_start3A_56 = tpu.memref_squeeze %dma_start3A_55 : memref<1x64x128xf32, #tpu.memory_space<vmem>> -> memref<64x128xf32, #tpu.memory_space<vmem>>
      %dma_start3A_57 = arith.constant 0 : i32
      %dma_start3A_58 = tpu.memref_slice %arg2[%dma_start3A_57, %multiple_of3A_45] : memref<64x1000000xf32, #tpu.memory_space<hbm>> -> memref<64x128xf32, #tpu.memory_space<hbm>>
      tpu.enqueue_dma source(%dma_start3A_58 : memref<64x128xf32, #tpu.memory_space<hbm>>) target(%dma_start3A_56 : memref<64x128xf32, #tpu.memory_space<vmem>>) target_semaphore(%arg11 : memref<!tpu.dma_semaphore, #tpu.memory_space<semaphore_mem>>)
      %slice3A_59 = vector.extract_strided_slice %sub3A {offsets = [3], sizes = [1], strides = [1]} : vector<16xi32> to vector<1xi32>
      %squeeze3A_60 = vector.extract %slice3A_59[0] : i32 from vector<1xi32>
      %multiple_of3A_61 = tpu.assume_multiple %squeeze3A_60, 128 : i32
      %dma_start3A_62 = arith.constant 3 : i32
      %dma_start3A_63 = arith.constant 0 : i32
      %dma_start3A_64 = arith.constant 0 : i32
      %dma_start3A_65 = tpu.memref_slice %arg7[%dma_start3A_62, %dma_start3A_63, %dma_start3A_64] : memref<8x64x128xf32, #tpu.memory_space<vmem>> -> memref<1x64x128xf32, #tpu.memory_space<vmem>>
      %dma_start3A_66 = tpu.memref_squeeze %dma_start3A_65 : memref<1x64x128xf32, #tpu.memory_space<vmem>> -> memref<64x128xf32, #tpu.memory_space<vmem>>
      %dma_start3A_67 = arith.constant 0 : i32
      %dma_start3A_68 = tpu.memref_slice %arg2[%dma_start3A_67, %multiple_of3A_61] : memref<64x1000000xf32, #tpu.memory_space<hbm>> -> memref<64x128xf32, #tpu.memory_space<hbm>>
      %dma_start3A_69 = arith.constant 0 : i32
      %dma_start3A_70 = arith.constant 0 : i32
      %dma_start3A_71 = tpu.memref_slice %arg7[%dma_start3A_62, %dma_start3A_69, %dma_start3A_70] : memref<8x64x128xf32, #tpu.memory_space<vmem>> -> memref<1x64x128xf32, #tpu.memory_space<vmem>>
      %dma_start3A_72 = tpu.memref_squeeze %dma_start3A_71 : memref<1x64x128xf32, #tpu.memory_space<vmem>> -> memref<64x128xf32, #tpu.memory_space<vmem>>
      %dma_start3A_73 = arith.constant 0 : i32
      %dma_start3A_74 = tpu.memref_slice %arg2[%dma_start3A_73, %multiple_of3A_61] : memref<64x1000000xf32, #tpu.memory_space<hbm>> -> memref<64x128xf32, #tpu.memory_space<hbm>>
      tpu.enqueue_dma source(%dma_start3A_74 : memref<64x128xf32, #tpu.memory_space<hbm>>) target(%dma_start3A_72 : memref<64x128xf32, #tpu.memory_space<vmem>>) target_semaphore(%arg11 : memref<!tpu.dma_semaphore, #tpu.memory_space<semaphore_mem>>)
      %slice3A_75 = vector.extract_strided_slice %sub3A {offsets = [4], sizes = [1], strides = [1]} : vector<16xi32> to vector<1xi32>
      %squeeze3A_76 = vector.extract %slice3A_75[0] : i32 from vector<1xi32>
      %multiple_of3A_77 = tpu.assume_multiple %squeeze3A_76, 128 : i32
      %dma_start3A_78 = arith.constant 4 : i32
      %dma_start3A_79 = arith.constant 0 : i32
      %dma_start3A_80 = arith.constant 0 : i32
      %dma_start3A_81 = tpu.memref_slice %arg7[%dma_start3A_78, %dma_start3A_79, %dma_start3A_80] : memref<8x64x128xf32, #tpu.memory_space<vmem>> -> memref<1x64x128xf32, #tpu.memory_space<vmem>>
      %dma_start3A_82 = tpu.memref_squeeze %dma_start3A_81 : memref<1x64x128xf32, #tpu.memory_space<vmem>> -> memref<64x128xf32, #tpu.memory_space<vmem>>
      %dma_start3A_83 = arith.constant 0 : i32
      %dma_start3A_84 = tpu.memref_slice %arg2[%dma_start3A_83, %multiple_of3A_77] : memref<64x1000000xf32, #tpu.memory_space<hbm>> -> memref<64x128xf32, #tpu.memory_space<hbm>>
      %dma_start3A_85 = arith.constant 0 : i32
      %dma_start3A_86 = arith.constant 0 : i32
      %dma_start3A_87 = tpu.memref_slice %arg7[%dma_start3A_78, %dma_start3A_85, %dma_start3A_86] : memref<8x64x128xf32, #tpu.memory_space<vmem>> -> memref<1x64x128xf32, #tpu.memory_space<vmem>>
      %dma_start3A_88 = tpu.memref_squeeze %dma_start3A_87 : memref<1x64x128xf32, #tpu.memory_space<vmem>> -> memref<64x128xf32, #tpu.memory_space<vmem>>
      %dma_start3A_89 = arith.constant 0 : i32
      %dma_start3A_90 = tpu.memref_slice %arg2[%dma_start3A_89, %multiple_of3A_77] : memref<64x1000000xf32, #tpu.memory_space<hbm>> -> memref<64x128xf32, #tpu.memory_space<hbm>>
      tpu.enqueue_dma source(%dma_start3A_90 : memref<64x128xf32, #tpu.memory_space<hbm>>) target(%dma_start3A_88 : memref<64x128xf32, #tpu.memory_space<vmem>>) target_semaphore(%arg11 : memref<!tpu.dma_semaphore, #tpu.memory_space<semaphore_mem>>)
      %slice3A_91 = vector.extract_strided_slice %sub3A {offsets = [5], sizes = [1], strides = [1]} : vector<16xi32> to vector<1xi32>
      %squeeze3A_92 = vector.extract %slice3A_91[0] : i32 from vector<1xi32>
      %multiple_of3A_93 = tpu.assume_multiple %squeeze3A_92, 128 : i32
      %dma_start3A_94 = arith.constant 5 : i32
      %dma_start3A_95 = arith.constant 0 : i32
      %dma_start3A_96 = arith.constant 0 : i32
      %dma_start3A_97 = tpu.memref_slice %arg7[%dma_start3A_94, %dma_start3A_95, %dma_start3A_96] : memref<8x64x128xf32, #tpu.memory_space<vmem>> -> memref<1x64x128xf32, #tpu.memory_space<vmem>>
      %dma_start3A_98 = tpu.memref_squeeze %dma_start3A_97 : memref<1x64x128xf32, #tpu.memory_space<vmem>> -> memref<64x128xf32, #tpu.memory_space<vmem>>
      %dma_start3A_99 = arith.constant 0 : i32
      %dma_start3A_100 = tpu.memref_slice %arg2[%dma_start3A_99, %multiple_of3A_93] : memref<64x1000000xf32, #tpu.memory_space<hbm>> -> memref<64x128xf32, #tpu.memory_space<hbm>>
      %dma_start3A_101 = arith.constant 0 : i32
      %dma_start3A_102 = arith.constant 0 : i32
      %dma_start3A_103 = tpu.memref_slice %arg7[%dma_start3A_94, %dma_start3A_101, %dma_start3A_102] : memref<8x64x128xf32, #tpu.memory_space<vmem>> -> memref<1x64x128xf32, #tpu.memory_space<vmem>>
      %dma_start3A_104 = tpu.memref_squeeze %dma_start3A_103 : memref<1x64x128xf32, #tpu.memory_space<vmem>> -> memref<64x128xf32, #tpu.memory_space<vmem>>
      %dma_start3A_105 = arith.constant 0 : i32
      %dma_start3A_106 = tpu.memref_slice %arg2[%dma_start3A_105, %multiple_of3A_93] : memref<64x1000000xf32, #tpu.memory_space<hbm>> -> memref<64x128xf32, #tpu.memory_space<hbm>>
      tpu.enqueue_dma source(%dma_start3A_106 : memref<64x128xf32, #tpu.memory_space<hbm>>) target(%dma_start3A_104 : memref<64x128xf32, #tpu.memory_space<vmem>>) target_semaphore(%arg11 : memref<!tpu.dma_semaphore, #tpu.memory_space<semaphore_mem>>)
      %slice3A_107 = vector.extract_strided_slice %sub3A {offsets = [6], sizes = [1], strides = [1]} : vector<16xi32> to vector<1xi32>
      %squeeze3A_108 = vector.extract %slice3A_107[0] : i32 from vector<1xi32>
      %multiple_of3A_109 = tpu.assume_multiple %squeeze3A_108, 128 : i32
      %dma_start3A_110 = arith.constant 6 : i32
      %dma_start3A_111 = arith.constant 0 : i32
      %dma_start3A_112 = arith.constant 0 : i32
      %dma_start3A_113 = tpu.memref_slice %arg7[%dma_start3A_110, %dma_start3A_111, %dma_start3A_112] : memref<8x64x128xf32, #tpu.memory_space<vmem>> -> memref<1x64x128xf32, #tpu.memory_space<vmem>>
      %dma_start3A_114 = tpu.memref_squeeze %dma_start3A_113 : memref<1x64x128xf32, #tpu.memory_space<vmem>> -> memref<64x128xf32, #tpu.memory_space<vmem>>
      %dma_start3A_115 = arith.constant 0 : i32
      %dma_start3A_116 = tpu.memref_slice %arg2[%dma_start3A_115, %multiple_of3A_109] : memref<64x1000000xf32, #tpu.memory_space<hbm>> -> memref<64x128xf32, #tpu.memory_space<hbm>>
      %dma_start3A_117 = arith.constant 0 : i32
      %dma_start3A_118 = arith.constant 0 : i32
      %dma_start3A_119 = tpu.memref_slice %arg7[%dma_start3A_110, %dma_start3A_117, %dma_start3A_118] : memref<8x64x128xf32, #tpu.memory_space<vmem>> -> memref<1x64x128xf32, #tpu.memory_space<vmem>>
      %dma_start3A_120 = tpu.memref_squeeze %dma_start3A_119 : memref<1x64x128xf32, #tpu.memory_space<vmem>> -> memref<64x128xf32, #tpu.memory_space<vmem>>
      %dma_start3A_121 = arith.constant 0 : i32
      %dma_start3A_122 = tpu.memref_slice %arg2[%dma_start3A_121, %multiple_of3A_109] : memref<64x1000000xf32, #tpu.memory_space<hbm>> -> memref<64x128xf32, #tpu.memory_space<hbm>>
      tpu.enqueue_dma source(%dma_start3A_122 : memref<64x128xf32, #tpu.memory_space<hbm>>) target(%dma_start3A_120 : memref<64x128xf32, #tpu.memory_space<vmem>>) target_semaphore(%arg11 : memref<!tpu.dma_semaphore, #tpu.memory_space<semaphore_mem>>)
      %slice3A_123 = vector.extract_strided_slice %sub3A {offsets = [7], sizes = [1], strides = [1]} : vector<16xi32> to vector<1xi32>
      %squeeze3A_124 = vector.extract %slice3A_123[0] : i32 from vector<1xi32>
      %multiple_of3A_125 = tpu.assume_multiple %squeeze3A_124, 128 : i32
      %dma_start3A_126 = arith.constant 7 : i32
      %dma_start3A_127 = arith.constant 0 : i32
      %dma_start3A_128 = arith.constant 0 : i32
      %dma_start3A_129 = tpu.memref_slice %arg7[%dma_start3A_126, %dma_start3A_127, %dma_start3A_128] : memref<8x64x128xf32, #tpu.memory_space<vmem>> -> memref<1x64x128xf32, #tpu.memory_space<vmem>>
      %dma_start3A_130 = tpu.memref_squeeze %dma_start3A_129 : memref<1x64x128xf32, #tpu.memory_space<vmem>> -> memref<64x128xf32, #tpu.memory_space<vmem>>
      %dma_start3A_131 = arith.constant 0 : i32
      %dma_start3A_132 = tpu.memref_slice %arg2[%dma_start3A_131, %multiple_of3A_125] : memref<64x1000000xf32, #tpu.memory_space<hbm>> -> memref<64x128xf32, #tpu.memory_space<hbm>>
      %dma_start3A_133 = arith.constant 0 : i32
      %dma_start3A_134 = arith.constant 0 : i32
      %dma_start3A_135 = tpu.memref_slice %arg7[%dma_start3A_126, %dma_start3A_133, %dma_start3A_134] : memref<8x64x128xf32, #tpu.memory_space<vmem>> -> memref<1x64x128xf32, #tpu.memory_space<vmem>>
      %dma_start3A_136 = tpu.memref_squeeze %dma_start3A_135 : memref<1x64x128xf32, #tpu.memory_space<vmem>> -> memref<64x128xf32, #tpu.memory_space<vmem>>
      %dma_start3A_137 = arith.constant 0 : i32
      %dma_start3A_138 = tpu.memref_slice %arg2[%dma_start3A_137, %multiple_of3A_125] : memref<64x1000000xf32, #tpu.memory_space<hbm>> -> memref<64x128xf32, #tpu.memory_space<hbm>>
      tpu.enqueue_dma source(%dma_start3A_138 : memref<64x128xf32, #tpu.memory_space<hbm>>) target(%dma_start3A_136 : memref<64x128xf32, #tpu.memory_space<vmem>>) target_semaphore(%arg11 : memref<!tpu.dma_semaphore, #tpu.memory_space<semaphore_mem>>)
      %dma_wait3A = arith.constant 0 : i32
      %dma_wait3A_139 = arith.constant 0 : i32
      %dma_wait3A_140 = arith.constant 0 : i32
      %dma_wait3A_141 = tpu.memref_slice %arg7[%dma_wait3A, %dma_wait3A_139, %dma_wait3A_140] : memref<8x64x128xf32, #tpu.memory_space<vmem>> -> memref<1x64x128xf32, #tpu.memory_space<vmem>>
      %dma_wait3A_142 = tpu.memref_squeeze %dma_wait3A_141 : memref<1x64x128xf32, #tpu.memory_space<vmem>> -> memref<64x128xf32, #tpu.memory_space<vmem>>
      %dma_wait3A_143 = arith.constant 0 : i32
      %dma_wait3A_144 = tpu.memref_slice %arg2[%dma_wait3A_143, %multiple_of3A] : memref<64x1000000xf32, #tpu.memory_space<hbm>> -> memref<64x128xf32, #tpu.memory_space<hbm>>
      %dma_wait3A_145 = arith.constant 0 : i32
      %dma_wait3A_146 = arith.constant 0 : i32
      %dma_wait3A_147 = tpu.memref_slice %arg7[%dma_wait3A, %dma_wait3A_145, %dma_wait3A_146] : memref<8x64x128xf32, #tpu.memory_space<vmem>> -> memref<1x64x128xf32, #tpu.memory_space<vmem>>
      %dma_wait3A_148 = tpu.memref_squeeze %dma_wait3A_147 : memref<1x64x128xf32, #tpu.memory_space<vmem>> -> memref<64x128xf32, #tpu.memory_space<vmem>>
      %dma_wait3A_149 = arith.constant 0 : i32
      %dma_wait3A_150 = tpu.memref_slice %arg2[%dma_wait3A_149, %multiple_of3A] : memref<64x1000000xf32, #tpu.memory_space<hbm>> -> memref<64x128xf32, #tpu.memory_space<hbm>>
      tpu.wait_dma2 semaphore(%arg11 : memref<!tpu.dma_semaphore, #tpu.memory_space<semaphore_mem>>) src(%dma_wait3A_150 : memref<64x128xf32, #tpu.memory_space<hbm>>) dst(%dma_wait3A_148 : memref<64x128xf32, #tpu.memory_space<vmem>>)
      %dma_wait3A_151 = arith.constant 1 : i32
      %dma_wait3A_152 = arith.constant 0 : i32
      %dma_wait3A_153 = arith.constant 0 : i32
      %dma_wait3A_154 = tpu.memref_slice %arg7[%dma_wait3A_151, %dma_wait3A_152, %dma_wait3A_153] : memref<8x64x128xf32, #tpu.memory_space<vmem>> -> memref<1x64x128xf32, #tpu.memory_space<vmem>>
      %dma_wait3A_155 = tpu.memref_squeeze %dma_wait3A_154 : memref<1x64x128xf32, #tpu.memory_space<vmem>> -> memref<64x128xf32, #tpu.memory_space<vmem>>
      %dma_wait3A_156 = arith.constant 0 : i32
      %dma_wait3A_157 = tpu.memref_slice %arg2[%dma_wait3A_156, %multiple_of3A_29] : memref<64x1000000xf32, #tpu.memory_space<hbm>> -> memref<64x128xf32, #tpu.memory_space<hbm>>
      %dma_wait3A_158 = arith.constant 0 : i32
      %dma_wait3A_159 = arith.constant 0 : i32
      %dma_wait3A_160 = tpu.memref_slice %arg7[%dma_wait3A_151, %dma_wait3A_158, %dma_wait3A_159] : memref<8x64x128xf32, #tpu.memory_space<vmem>> -> memref<1x64x128xf32, #tpu.memory_space<vmem>>
      %dma_wait3A_161 = tpu.memref_squeeze %dma_wait3A_160 : memref<1x64x128xf32, #tpu.memory_space<vmem>> -> memref<64x128xf32, #tpu.memory_space<vmem>>
      %dma_wait3A_162 = arith.constant 0 : i32
      %dma_wait3A_163 = tpu.memref_slice %arg2[%dma_wait3A_162, %multiple_of3A_29] : memref<64x1000000xf32, #tpu.memory_space<hbm>> -> memref<64x128xf32, #tpu.memory_space<hbm>>
      tpu.wait_dma2 semaphore(%arg11 : memref<!tpu.dma_semaphore, #tpu.memory_space<semaphore_mem>>) src(%dma_wait3A_163 : memref<64x128xf32, #tpu.memory_space<hbm>>) dst(%dma_wait3A_161 : memref<64x128xf32, #tpu.memory_space<vmem>>)
      %dma_wait3A_164 = arith.constant 2 : i32
      %dma_wait3A_165 = arith.constant 0 : i32
      %dma_wait3A_166 = arith.constant 0 : i32
      %dma_wait3A_167 = tpu.memref_slice %arg7[%dma_wait3A_164, %dma_wait3A_165, %dma_wait3A_166] : memref<8x64x128xf32, #tpu.memory_space<vmem>> -> memref<1x64x128xf32, #tpu.memory_space<vmem>>
      %dma_wait3A_168 = tpu.memref_squeeze %dma_wait3A_167 : memref<1x64x128xf32, #tpu.memory_space<vmem>> -> memref<64x128xf32, #tpu.memory_space<vmem>>
      %dma_wait3A_169 = arith.constant 0 : i32
      %dma_wait3A_170 = tpu.memref_slice %arg2[%dma_wait3A_169, %multiple_of3A_45] : memref<64x1000000xf32, #tpu.memory_space<hbm>> -> memref<64x128xf32, #tpu.memory_space<hbm>>
      %dma_wait3A_171 = arith.constant 0 : i32
      %dma_wait3A_172 = arith.constant 0 : i32
      %dma_wait3A_173 = tpu.memref_slice %arg7[%dma_wait3A_164, %dma_wait3A_171, %dma_wait3A_172] : memref<8x64x128xf32, #tpu.memory_space<vmem>> -> memref<1x64x128xf32, #tpu.memory_space<vmem>>
      %dma_wait3A_174 = tpu.memref_squeeze %dma_wait3A_173 : memref<1x64x128xf32, #tpu.memory_space<vmem>> -> memref<64x128xf32, #tpu.memory_space<vmem>>
      %dma_wait3A_175 = arith.constant 0 : i32
      %dma_wait3A_176 = tpu.memref_slice %arg2[%dma_wait3A_175, %multiple_of3A_45] : memref<64x1000000xf32, #tpu.memory_space<hbm>> -> memref<64x128xf32, #tpu.memory_space<hbm>>
      tpu.wait_dma2 semaphore(%arg11 : memref<!tpu.dma_semaphore, #tpu.memory_space<semaphore_mem>>) src(%dma_wait3A_176 : memref<64x128xf32, #tpu.memory_space<hbm>>) dst(%dma_wait3A_174 : memref<64x128xf32, #tpu.memory_space<vmem>>)
      %dma_wait3A_177 = arith.constant 3 : i32
      %dma_wait3A_178 = arith.constant 0 : i32
      %dma_wait3A_179 = arith.constant 0 : i32
      %dma_wait3A_180 = tpu.memref_slice %arg7[%dma_wait3A_177, %dma_wait3A_178, %dma_wait3A_179] : memref<8x64x128xf32, #tpu.memory_space<vmem>> -> memref<1x64x128xf32, #tpu.memory_space<vmem>>
      %dma_wait3A_181 = tpu.memref_squeeze %dma_wait3A_180 : memref<1x64x128xf32, #tpu.memory_space<vmem>> -> memref<64x128xf32, #tpu.memory_space<vmem>>
      %dma_wait3A_182 = arith.constant 0 : i32
      %dma_wait3A_183 = tpu.memref_slice %arg2[%dma_wait3A_182, %multiple_of3A_61] : memref<64x1000000xf32, #tpu.memory_space<hbm>> -> memref<64x128xf32, #tpu.memory_space<hbm>>
      %dma_wait3A_184 = arith.constant 0 : i32
      %dma_wait3A_185 = arith.constant 0 : i32
      %dma_wait3A_186 = tpu.memref_slice %arg7[%dma_wait3A_177, %dma_wait3A_184, %dma_wait3A_185] : memref<8x64x128xf32, #tpu.memory_space<vmem>> -> memref<1x64x128xf32, #tpu.memory_space<vmem>>
      %dma_wait3A_187 = tpu.memref_squeeze %dma_wait3A_186 : memref<1x64x128xf32, #tpu.memory_space<vmem>> -> memref<64x128xf32, #tpu.memory_space<vmem>>
      %dma_wait3A_188 = arith.constant 0 : i32
      %dma_wait3A_189 = tpu.memref_slice %arg2[%dma_wait3A_188, %multiple_of3A_61] : memref<64x1000000xf32, #tpu.memory_space<hbm>> -> memref<64x128xf32, #tpu.memory_space<hbm>>
      tpu.wait_dma2 semaphore(%arg11 : memref<!tpu.dma_semaphore, #tpu.memory_space<semaphore_mem>>) src(%dma_wait3A_189 : memref<64x128xf32, #tpu.memory_space<hbm>>) dst(%dma_wait3A_187 : memref<64x128xf32, #tpu.memory_space<vmem>>)
      %dma_wait3A_190 = arith.constant 4 : i32
      %dma_wait3A_191 = arith.constant 0 : i32
      %dma_wait3A_192 = arith.constant 0 : i32
      %dma_wait3A_193 = tpu.memref_slice %arg7[%dma_wait3A_190, %dma_wait3A_191, %dma_wait3A_192] : memref<8x64x128xf32, #tpu.memory_space<vmem>> -> memref<1x64x128xf32, #tpu.memory_space<vmem>>
      %dma_wait3A_194 = tpu.memref_squeeze %dma_wait3A_193 : memref<1x64x128xf32, #tpu.memory_space<vmem>> -> memref<64x128xf32, #tpu.memory_space<vmem>>
      %dma_wait3A_195 = arith.constant 0 : i32
      %dma_wait3A_196 = tpu.memref_slice %arg2[%dma_wait3A_195, %multiple_of3A_77] : memref<64x1000000xf32, #tpu.memory_space<hbm>> -> memref<64x128xf32, #tpu.memory_space<hbm>>
      %dma_wait3A_197 = arith.constant 0 : i32
      %dma_wait3A_198 = arith.constant 0 : i32
      %dma_wait3A_199 = tpu.memref_slice %arg7[%dma_wait3A_190, %dma_wait3A_197, %dma_wait3A_198] : memref<8x64x128xf32, #tpu.memory_space<vmem>> -> memref<1x64x128xf32, #tpu.memory_space<vmem>>
      %dma_wait3A_200 = tpu.memref_squeeze %dma_wait3A_199 : memref<1x64x128xf32, #tpu.memory_space<vmem>> -> memref<64x128xf32, #tpu.memory_space<vmem>>
      %dma_wait3A_201 = arith.constant 0 : i32
      %dma_wait3A_202 = tpu.memref_slice %arg2[%dma_wait3A_201, %multiple_of3A_77] : memref<64x1000000xf32, #tpu.memory_space<hbm>> -> memref<64x128xf32, #tpu.memory_space<hbm>>
      tpu.wait_dma2 semaphore(%arg11 : memref<!tpu.dma_semaphore, #tpu.memory_space<semaphore_mem>>) src(%dma_wait3A_202 : memref<64x128xf32, #tpu.memory_space<hbm>>) dst(%dma_wait3A_200 : memref<64x128xf32, #tpu.memory_space<vmem>>)
      %dma_wait3A_203 = arith.constant 5 : i32
      %dma_wait3A_204 = arith.constant 0 : i32
      %dma_wait3A_205 = arith.constant 0 : i32
      %dma_wait3A_206 = tpu.memref_slice %arg7[%dma_wait3A_203, %dma_wait3A_204, %dma_wait3A_205] : memref<8x64x128xf32, #tpu.memory_space<vmem>> -> memref<1x64x128xf32, #tpu.memory_space<vmem>>
      %dma_wait3A_207 = tpu.memref_squeeze %dma_wait3A_206 : memref<1x64x128xf32, #tpu.memory_space<vmem>> -> memref<64x128xf32, #tpu.memory_space<vmem>>
      %dma_wait3A_208 = arith.constant 0 : i32
      %dma_wait3A_209 = tpu.memref_slice %arg2[%dma_wait3A_208, %multiple_of3A_93] : memref<64x1000000xf32, #tpu.memory_space<hbm>> -> memref<64x128xf32, #tpu.memory_space<hbm>>
      %dma_wait3A_210 = arith.constant 0 : i32
      %dma_wait3A_211 = arith.constant 0 : i32
      %dma_wait3A_212 = tpu.memref_slice %arg7[%dma_wait3A_203, %dma_wait3A_210, %dma_wait3A_211] : memref<8x64x128xf32, #tpu.memory_space<vmem>> -> memref<1x64x128xf32, #tpu.memory_space<vmem>>
      %dma_wait3A_213 = tpu.memref_squeeze %dma_wait3A_212 : memref<1x64x128xf32, #tpu.memory_space<vmem>> -> memref<64x128xf32, #tpu.memory_space<vmem>>
      %dma_wait3A_214 = arith.constant 0 : i32
      %dma_wait3A_215 = tpu.memref_slice %arg2[%dma_wait3A_214, %multiple_of3A_93] : memref<64x1000000xf32, #tpu.memory_space<hbm>> -> memref<64x128xf32, #tpu.memory_space<hbm>>
      tpu.wait_dma2 semaphore(%arg11 : memref<!tpu.dma_semaphore, #tpu.memory_space<semaphore_mem>>) src(%dma_wait3A_215 : memref<64x128xf32, #tpu.memory_space<hbm>>) dst(%dma_wait3A_213 : memref<64x128xf32, #tpu.memory_space<vmem>>)
      %dma_wait3A_216 = arith.constant 6 : i32
      %dma_wait3A_217 = arith.constant 0 : i32
      %dma_wait3A_218 = arith.constant 0 : i32
      %dma_wait3A_219 = tpu.memref_slice %arg7[%dma_wait3A_216, %dma_wait3A_217, %dma_wait3A_218] : memref<8x64x128xf32, #tpu.memory_space<vmem>> -> memref<1x64x128xf32, #tpu.memory_space<vmem>>
      %dma_wait3A_220 = tpu.memref_squeeze %dma_wait3A_219 : memref<1x64x128xf32, #tpu.memory_space<vmem>> -> memref<64x128xf32, #tpu.memory_space<vmem>>
      %dma_wait3A_221 = arith.constant 0 : i32
      %dma_wait3A_222 = tpu.memref_slice %arg2[%dma_wait3A_221, %multiple_of3A_109] : memref<64x1000000xf32, #tpu.memory_space<hbm>> -> memref<64x128xf32, #tpu.memory_space<hbm>>
      %dma_wait3A_223 = arith.constant 0 : i32
      %dma_wait3A_224 = arith.constant 0 : i32
      %dma_wait3A_225 = tpu.memref_slice %arg7[%dma_wait3A_216, %dma_wait3A_223, %dma_wait3A_224] : memref<8x64x128xf32, #tpu.memory_space<vmem>> -> memref<1x64x128xf32, #tpu.memory_space<vmem>>
      %dma_wait3A_226 = tpu.memref_squeeze %dma_wait3A_225 : memref<1x64x128xf32, #tpu.memory_space<vmem>> -> memref<64x128xf32, #tpu.memory_space<vmem>>
      %dma_wait3A_227 = arith.constant 0 : i32
      %dma_wait3A_228 = tpu.memref_slice %arg2[%dma_wait3A_227, %multiple_of3A_109] : memref<64x1000000xf32, #tpu.memory_space<hbm>> -> memref<64x128xf32, #tpu.memory_space<hbm>>
      tpu.wait_dma2 semaphore(%arg11 : memref<!tpu.dma_semaphore, #tpu.memory_space<semaphore_mem>>) src(%dma_wait3A_228 : memref<64x128xf32, #tpu.memory_space<hbm>>) dst(%dma_wait3A_226 : memref<64x128xf32, #tpu.memory_space<vmem>>)
      %dma_wait3A_229 = arith.constant 7 : i32
      %dma_wait3A_230 = arith.constant 0 : i32
      %dma_wait3A_231 = arith.constant 0 : i32
      %dma_wait3A_232 = tpu.memref_slice %arg7[%dma_wait3A_229, %dma_wait3A_230, %dma_wait3A_231] : memref<8x64x128xf32, #tpu.memory_space<vmem>> -> memref<1x64x128xf32, #tpu.memory_space<vmem>>
      %dma_wait3A_233 = tpu.memref_squeeze %dma_wait3A_232 : memref<1x64x128xf32, #tpu.memory_space<vmem>> -> memref<64x128xf32, #tpu.memory_space<vmem>>
      %dma_wait3A_234 = arith.constant 0 : i32
      %dma_wait3A_235 = tpu.memref_slice %arg2[%dma_wait3A_234, %multiple_of3A_125] : memref<64x1000000xf32, #tpu.memory_space<hbm>> -> memref<64x128xf32, #tpu.memory_space<hbm>>
      %dma_wait3A_236 = arith.constant 0 : i32
      %dma_wait3A_237 = arith.constant 0 : i32
      %dma_wait3A_238 = tpu.memref_slice %arg7[%dma_wait3A_229, %dma_wait3A_236, %dma_wait3A_237] : memref<8x64x128xf32, #tpu.memory_space<vmem>> -> memref<1x64x128xf32, #tpu.memory_space<vmem>>
      %dma_wait3A_239 = tpu.memref_squeeze %dma_wait3A_238 : memref<1x64x128xf32, #tpu.memory_space<vmem>> -> memref<64x128xf32, #tpu.memory_space<vmem>>
      %dma_wait3A_240 = arith.constant 0 : i32
      %dma_wait3A_241 = tpu.memref_slice %arg2[%dma_wait3A_240, %multiple_of3A_125] : memref<64x1000000xf32, #tpu.memory_space<hbm>> -> memref<64x128xf32, #tpu.memory_space<hbm>>
      tpu.wait_dma2 semaphore(%arg11 : memref<!tpu.dma_semaphore, #tpu.memory_space<semaphore_mem>>) src(%dma_wait3A_241 : memref<64x128xf32, #tpu.memory_space<hbm>>) dst(%dma_wait3A_239 : memref<64x128xf32, #tpu.memory_space<vmem>>)
      %broadcast_in_dim3A = arith.constant 0 : i32
      %broadcast_in_dim3A_242 = vector.broadcast %broadcast_in_dim3A : i32 to vector<16xi32>
      %slice3A_243 = vector.extract_strided_slice %and3A_14 {offsets = [0], sizes = [1], strides = [1]} : vector<16xi32> to vector<1xi32>
      %squeeze3A_244 = vector.extract %slice3A_243[0] : i32 from vector<1xi32>
      %broadcast_in_dim3A_245 = vector.broadcast %squeeze3A_244 : i32 to vector<16xi32>
      %add3A_246 = arith.constant 0 : i32
      %add3A_247 = vector.broadcast %add3A_246 : i32 to vector<16xi32>
      %add3A_248 = arith.addi %add3A_247, %iota3A : vector<16xi32>
      %gather3A_249 = tpu.vector_load_idx %arg7[%broadcast_in_dim3A_242, %add3A_248, %broadcast_in_dim3A_245] : memref<8x64x128xf32, #tpu.memory_space<vmem>>[vector<16xi32>, vector<16xi32>, vector<16xi32>], vector<16xf32>,
      %add3A_250 = arith.constant 16 : i32
      %add3A_251 = vector.broadcast %add3A_250 : i32 to vector<16xi32>
      %add3A_252 = arith.addi %add3A_251, %iota3A : vector<16xi32>
      %gather3A_253 = tpu.vector_load_idx %arg7[%broadcast_in_dim3A_242, %add3A_252, %broadcast_in_dim3A_245] : memref<8x64x128xf32, #tpu.memory_space<vmem>>[vector<16xi32>, vector<16xi32>, vector<16xi32>], vector<16xf32>,
      %add3A_254 = arith.constant 32 : i32
      %add3A_255 = vector.broadcast %add3A_254 : i32 to vector<16xi32>
      %add3A_256 = arith.addi %add3A_255, %iota3A : vector<16xi32>
      %gather3A_257 = tpu.vector_load_idx %arg7[%broadcast_in_dim3A_242, %add3A_256, %broadcast_in_dim3A_245] : memref<8x64x128xf32, #tpu.memory_space<vmem>>[vector<16xi32>, vector<16xi32>, vector<16xi32>], vector<16xf32>,
      %add3A_258 = arith.constant 48 : i32
      %add3A_259 = vector.broadcast %add3A_258 : i32 to vector<16xi32>
      %add3A_260 = arith.addi %add3A_259, %iota3A : vector<16xi32>
      %gather3A_261 = tpu.vector_load_idx %arg7[%broadcast_in_dim3A_242, %add3A_260, %broadcast_in_dim3A_245] : memref<8x64x128xf32, #tpu.memory_space<vmem>>[vector<16xi32>, vector<16xi32>, vector<16xi32>], vector<16xf32>,
      %broadcast_in_dim3A_262 = arith.constant 1 : i32
      %broadcast_in_dim3A_263 = vector.broadcast %broadcast_in_dim3A_262 : i32 to vector<16xi32>
      %slice3A_264 = vector.extract_strided_slice %and3A_14 {offsets = [1], sizes = [1], strides = [1]} : vector<16xi32> to vector<1xi32>
      %squeeze3A_265 = vector.extract %slice3A_264[0] : i32 from vector<1xi32>
      %broadcast_in_dim3A_266 = vector.broadcast %squeeze3A_265 : i32 to vector<16xi32>
      %add3A_267 = arith.constant 0 : i32
      %add3A_268 = vector.broadcast %add3A_267 : i32 to vector<16xi32>
      %add3A_269 = arith.addi %add3A_268, %iota3A : vector<16xi32>
      %gather3A_270 = tpu.vector_load_idx %arg7[%broadcast_in_dim3A_263, %add3A_269, %broadcast_in_dim3A_266] : memref<8x64x128xf32, #tpu.memory_space<vmem>>[vector<16xi32>, vector<16xi32>, vector<16xi32>], vector<16xf32>,
      %max3A = arith.maximumf %gather3A_249, %gather3A_270 : vector<16xf32>
      %add3A_271 = arith.constant 16 : i32
      %add3A_272 = vector.broadcast %add3A_271 : i32 to vector<16xi32>
      %add3A_273 = arith.addi %add3A_272, %iota3A : vector<16xi32>
      %gather3A_274 = tpu.vector_load_idx %arg7[%broadcast_in_dim3A_263, %add3A_273, %broadcast_in_dim3A_266] : memref<8x64x128xf32, #tpu.memory_space<vmem>>[vector<16xi32>, vector<16xi32>, vector<16xi32>], vector<16xf32>,
      %max3A_275 = arith.maximumf %gather3A_253, %gather3A_274 : vector<16xf32>
      %add3A_276 = arith.constant 32 : i32
      %add3A_277 = vector.broadcast %add3A_276 : i32 to vector<16xi32>
      %add3A_278 = arith.addi %add3A_277, %iota3A : vector<16xi32>
      %gather3A_279 = tpu.vector_load_idx %arg7[%broadcast_in_dim3A_263, %add3A_278, %broadcast_in_dim3A_266] : memref<8x64x128xf32, #tpu.memory_space<vmem>>[vector<16xi32>, vector<16xi32>, vector<16xi32>], vector<16xf32>,
      %max3A_280 = arith.maximumf %gather3A_257, %gather3A_279 : vector<16xf32>
      %add3A_281 = arith.constant 48 : i32
      %add3A_282 = vector.broadcast %add3A_281 : i32 to vector<16xi32>
      %add3A_283 = arith.addi %add3A_282, %iota3A : vector<16xi32>
      %gather3A_284 = tpu.vector_load_idx %arg7[%broadcast_in_dim3A_263, %add3A_283, %broadcast_in_dim3A_266] : memref<8x64x128xf32, #tpu.memory_space<vmem>>[vector<16xi32>, vector<16xi32>, vector<16xi32>], vector<16xf32>,
      %max3A_285 = arith.maximumf %gather3A_261, %gather3A_284 : vector<16xf32>
      %broadcast_in_dim3A_286 = arith.constant 2 : i32
      %broadcast_in_dim3A_287 = vector.broadcast %broadcast_in_dim3A_286 : i32 to vector<16xi32>
      %slice3A_288 = vector.extract_strided_slice %and3A_14 {offsets = [2], sizes = [1], strides = [1]} : vector<16xi32> to vector<1xi32>
      %squeeze3A_289 = vector.extract %slice3A_288[0] : i32 from vector<1xi32>
      %broadcast_in_dim3A_290 = vector.broadcast %squeeze3A_289 : i32 to vector<16xi32>
      %add3A_291 = arith.constant 0 : i32
      %add3A_292 = vector.broadcast %add3A_291 : i32 to vector<16xi32>
      %add3A_293 = arith.addi %add3A_292, %iota3A : vector<16xi32>
      %gather3A_294 = tpu.vector_load_idx %arg7[%broadcast_in_dim3A_287, %add3A_293, %broadcast_in_dim3A_290] : memref<8x64x128xf32, #tpu.memory_space<vmem>>[vector<16xi32>, vector<16xi32>, vector<16xi32>], vector<16xf32>,
      %max3A_295 = arith.maximumf %max3A, %gather3A_294 : vector<16xf32>
      %add3A_296 = arith.constant 16 : i32
      %add3A_297 = vector.broadcast %add3A_296 : i32 to vector<16xi32>
      %add3A_298 = arith.addi %add3A_297, %iota3A : vector<16xi32>
      %gather3A_299 = tpu.vector_load_idx %arg7[%broadcast_in_dim3A_287, %add3A_298, %broadcast_in_dim3A_290] : memref<8x64x128xf32, #tpu.memory_space<vmem>>[vector<16xi32>, vector<16xi32>, vector<16xi32>], vector<16xf32>,
      %max3A_300 = arith.maximumf %max3A_275, %gather3A_299 : vector<16xf32>
      %add3A_301 = arith.constant 32 : i32
      %add3A_302 = vector.broadcast %add3A_301 : i32 to vector<16xi32>
      %add3A_303 = arith.addi %add3A_302, %iota3A : vector<16xi32>
      %gather3A_304 = tpu.vector_load_idx %arg7[%broadcast_in_dim3A_287, %add3A_303, %broadcast_in_dim3A_290] : memref<8x64x128xf32, #tpu.memory_space<vmem>>[vector<16xi32>, vector<16xi32>, vector<16xi32>], vector<16xf32>,
      %max3A_305 = arith.maximumf %max3A_280, %gather3A_304 : vector<16xf32>
      %add3A_306 = arith.constant 48 : i32
      %add3A_307 = vector.broadcast %add3A_306 : i32 to vector<16xi32>
      %add3A_308 = arith.addi %add3A_307, %iota3A : vector<16xi32>
      %gather3A_309 = tpu.vector_load_idx %arg7[%broadcast_in_dim3A_287, %add3A_308, %broadcast_in_dim3A_290] : memref<8x64x128xf32, #tpu.memory_space<vmem>>[vector<16xi32>, vector<16xi32>, vector<16xi32>], vector<16xf32>,
      %max3A_310 = arith.maximumf %max3A_285, %gather3A_309 : vector<16xf32>
      %broadcast_in_dim3A_311 = arith.constant 3 : i32
      %broadcast_in_dim3A_312 = vector.broadcast %broadcast_in_dim3A_311 : i32 to vector<16xi32>
      %slice3A_313 = vector.extract_strided_slice %and3A_14 {offsets = [3], sizes = [1], strides = [1]} : vector<16xi32> to vector<1xi32>
      %squeeze3A_314 = vector.extract %slice3A_313[0] : i32 from vector<1xi32>
      %broadcast_in_dim3A_315 = vector.broadcast %squeeze3A_314 : i32 to vector<16xi32>
      %add3A_316 = arith.constant 0 : i32
      %add3A_317 = vector.broadcast %add3A_316 : i32 to vector<16xi32>
      %add3A_318 = arith.addi %add3A_317, %iota3A : vector<16xi32>
      %gather3A_319 = tpu.vector_load_idx %arg7[%broadcast_in_dim3A_312, %add3A_318, %broadcast_in_dim3A_315] : memref<8x64x128xf32, #tpu.memory_space<vmem>>[vector<16xi32>, vector<16xi32>, vector<16xi32>], vector<16xf32>,
      %max3A_320 = arith.maximumf %max3A_295, %gather3A_319 : vector<16xf32>
      %add3A_321 = arith.constant 16 : i32
      %add3A_322 = vector.broadcast %add3A_321 : i32 to vector<16xi32>
      %add3A_323 = arith.addi %add3A_322, %iota3A : vector<16xi32>
      %gather3A_324 = tpu.vector_load_idx %arg7[%broadcast_in_dim3A_312, %add3A_323, %broadcast_in_dim3A_315] : memref<8x64x128xf32, #tpu.memory_space<vmem>>[vector<16xi32>, vector<16xi32>, vector<16xi32>], vector<16xf32>,
      %max3A_325 = arith.maximumf %max3A_300, %gather3A_324 : vector<16xf32>
      %add3A_326 = arith.constant 32 : i32
      %add3A_327 = vector.broadcast %add3A_326 : i32 to vector<16xi32>
      %add3A_328 = arith.addi %add3A_327, %iota3A : vector<16xi32>
      %gather3A_329 = tpu.vector_load_idx %arg7[%broadcast_in_dim3A_312, %add3A_328, %broadcast_in_dim3A_315] : memref<8x64x128xf32, #tpu.memory_space<vmem>>[vector<16xi32>, vector<16xi32>, vector<16xi32>], vector<16xf32>,
      %max3A_330 = arith.maximumf %max3A_305, %gather3A_329 : vector<16xf32>
      %add3A_331 = arith.constant 48 : i32
      %add3A_332 = vector.broadcast %add3A_331 : i32 to vector<16xi32>
      %add3A_333 = arith.addi %add3A_332, %iota3A : vector<16xi32>
      %gather3A_334 = tpu.vector_load_idx %arg7[%broadcast_in_dim3A_312, %add3A_333, %broadcast_in_dim3A_315] : memref<8x64x128xf32, #tpu.memory_space<vmem>>[vector<16xi32>, vector<16xi32>, vector<16xi32>], vector<16xf32>,
      %max3A_335 = arith.maximumf %max3A_310, %gather3A_334 : vector<16xf32>
      %broadcast_in_dim3A_336 = arith.constant 4 : i32
      %broadcast_in_dim3A_337 = vector.broadcast %broadcast_in_dim3A_336 : i32 to vector<16xi32>
      %slice3A_338 = vector.extract_strided_slice %and3A_14 {offsets = [4], sizes = [1], strides = [1]} : vector<16xi32> to vector<1xi32>
      %squeeze3A_339 = vector.extract %slice3A_338[0] : i32 from vector<1xi32>
      %broadcast_in_dim3A_340 = vector.broadcast %squeeze3A_339 : i32 to vector<16xi32>
      %add3A_341 = arith.constant 0 : i32
      %add3A_342 = vector.broadcast %add3A_341 : i32 to vector<16xi32>
      %add3A_343 = arith.addi %add3A_342, %iota3A : vector<16xi32>
      %gather3A_344 = tpu.vector_load_idx %arg7[%broadcast_in_dim3A_337, %add3A_343, %broadcast_in_dim3A_340] : memref<8x64x128xf32, #tpu.memory_space<vmem>>[vector<16xi32>, vector<16xi32>, vector<16xi32>], vector<16xf32>,
      %max3A_345 = arith.maximumf %max3A_320, %gather3A_344 : vector<16xf32>
      %add3A_346 = arith.constant 16 : i32
      %add3A_347 = vector.broadcast %add3A_346 : i32 to vector<16xi32>
      %add3A_348 = arith.addi %add3A_347, %iota3A : vector<16xi32>
      %gather3A_349 = tpu.vector_load_idx %arg7[%broadcast_in_dim3A_337, %add3A_348, %broadcast_in_dim3A_340] : memref<8x64x128xf32, #tpu.memory_space<vmem>>[vector<16xi32>, vector<16xi32>, vector<16xi32>], vector<16xf32>,
      %max3A_350 = arith.maximumf %max3A_325, %gather3A_349 : vector<16xf32>
      %add3A_351 = arith.constant 32 : i32
      %add3A_352 = vector.broadcast %add3A_351 : i32 to vector<16xi32>
      %add3A_353 = arith.addi %add3A_352, %iota3A : vector<16xi32>
      %gather3A_354 = tpu.vector_load_idx %arg7[%broadcast_in_dim3A_337, %add3A_353, %broadcast_in_dim3A_340] : memref<8x64x128xf32, #tpu.memory_space<vmem>>[vector<16xi32>, vector<16xi32>, vector<16xi32>], vector<16xf32>,
      %max3A_355 = arith.maximumf %max3A_330, %gather3A_354 : vector<16xf32>
      %add3A_356 = arith.constant 48 : i32
      %add3A_357 = vector.broadcast %add3A_356 : i32 to vector<16xi32>
      %add3A_358 = arith.addi %add3A_357, %iota3A : vector<16xi32>
      %gather3A_359 = tpu.vector_load_idx %arg7[%broadcast_in_dim3A_337, %add3A_358, %broadcast_in_dim3A_340] : memref<8x64x128xf32, #tpu.memory_space<vmem>>[vector<16xi32>, vector<16xi32>, vector<16xi32>], vector<16xf32>,
      %max3A_360 = arith.maximumf %max3A_335, %gather3A_359 : vector<16xf32>
      %broadcast_in_dim3A_361 = arith.constant 5 : i32
      %broadcast_in_dim3A_362 = vector.broadcast %broadcast_in_dim3A_361 : i32 to vector<16xi32>
      %slice3A_363 = vector.extract_strided_slice %and3A_14 {offsets = [5], sizes = [1], strides = [1]} : vector<16xi32> to vector<1xi32>
      %squeeze3A_364 = vector.extract %slice3A_363[0] : i32 from vector<1xi32>
      %broadcast_in_dim3A_365 = vector.broadcast %squeeze3A_364 : i32 to vector<16xi32>
      %add3A_366 = arith.constant 0 : i32
      %add3A_367 = vector.broadcast %add3A_366 : i32 to vector<16xi32>
      %add3A_368 = arith.addi %add3A_367, %iota3A : vector<16xi32>
      %gather3A_369 = tpu.vector_load_idx %arg7[%broadcast_in_dim3A_362, %add3A_368, %broadcast_in_dim3A_365] : memref<8x64x128xf32, #tpu.memory_space<vmem>>[vector<16xi32>, vector<16xi32>, vector<16xi32>], vector<16xf32>,
      %max3A_370 = arith.maximumf %max3A_345, %gather3A_369 : vector<16xf32>
      %add3A_371 = arith.constant 16 : i32
      %add3A_372 = vector.broadcast %add3A_371 : i32 to vector<16xi32>
      %add3A_373 = arith.addi %add3A_372, %iota3A : vector<16xi32>
      %gather3A_374 = tpu.vector_load_idx %arg7[%broadcast_in_dim3A_362, %add3A_373, %broadcast_in_dim3A_365] : memref<8x64x128xf32, #tpu.memory_space<vmem>>[vector<16xi32>, vector<16xi32>, vector<16xi32>], vector<16xf32>,
      %max3A_375 = arith.maximumf %max3A_350, %gather3A_374 : vector<16xf32>
      %add3A_376 = arith.constant 32 : i32
      %add3A_377 = vector.broadcast %add3A_376 : i32 to vector<16xi32>
      %add3A_378 = arith.addi %add3A_377, %iota3A : vector<16xi32>
      %gather3A_379 = tpu.vector_load_idx %arg7[%broadcast_in_dim3A_362, %add3A_378, %broadcast_in_dim3A_365] : memref<8x64x128xf32, #tpu.memory_space<vmem>>[vector<16xi32>, vector<16xi32>, vector<16xi32>], vector<16xf32>,
      %max3A_380 = arith.maximumf %max3A_355, %gather3A_379 : vector<16xf32>
      %add3A_381 = arith.constant 48 : i32
      %add3A_382 = vector.broadcast %add3A_381 : i32 to vector<16xi32>
      %add3A_383 = arith.addi %add3A_382, %iota3A : vector<16xi32>
      %gather3A_384 = tpu.vector_load_idx %arg7[%broadcast_in_dim3A_362, %add3A_383, %broadcast_in_dim3A_365] : memref<8x64x128xf32, #tpu.memory_space<vmem>>[vector<16xi32>, vector<16xi32>, vector<16xi32>], vector<16xf32>,
      %max3A_385 = arith.maximumf %max3A_360, %gather3A_384 : vector<16xf32>
      %broadcast_in_dim3A_386 = arith.constant 6 : i32
      %broadcast_in_dim3A_387 = vector.broadcast %broadcast_in_dim3A_386 : i32 to vector<16xi32>
      %slice3A_388 = vector.extract_strided_slice %and3A_14 {offsets = [6], sizes = [1], strides = [1]} : vector<16xi32> to vector<1xi32>
      %squeeze3A_389 = vector.extract %slice3A_388[0] : i32 from vector<1xi32>
      %broadcast_in_dim3A_390 = vector.broadcast %squeeze3A_389 : i32 to vector<16xi32>
      %add3A_391 = arith.constant 0 : i32
      %add3A_392 = vector.broadcast %add3A_391 : i32 to vector<16xi32>
      %add3A_393 = arith.addi %add3A_392, %iota3A : vector<16xi32>
      %gather3A_394 = tpu.vector_load_idx %arg7[%broadcast_in_dim3A_387, %add3A_393, %broadcast_in_dim3A_390] : memref<8x64x128xf32, #tpu.memory_space<vmem>>[vector<16xi32>, vector<16xi32>, vector<16xi32>], vector<16xf32>,
      %max3A_395 = arith.maximumf %max3A_370, %gather3A_394 : vector<16xf32>
      %add3A_396 = arith.constant 16 : i32
      %add3A_397 = vector.broadcast %add3A_396 : i32 to vector<16xi32>
      %add3A_398 = arith.addi %add3A_397, %iota3A : vector<16xi32>
      %gather3A_399 = tpu.vector_load_idx %arg7[%broadcast_in_dim3A_387, %add3A_398, %broadcast_in_dim3A_390] : memref<8x64x128xf32, #tpu.memory_space<vmem>>[vector<16xi32>, vector<16xi32>, vector<16xi32>], vector<16xf32>,
      %max3A_400 = arith.maximumf %max3A_375, %gather3A_399 : vector<16xf32>
      %add3A_401 = arith.constant 32 : i32
      %add3A_402 = vector.broadcast %add3A_401 : i32 to vector<16xi32>
      %add3A_403 = arith.addi %add3A_402, %iota3A : vector<16xi32>
      %gather3A_404 = tpu.vector_load_idx %arg7[%broadcast_in_dim3A_387, %add3A_403, %broadcast_in_dim3A_390] : memref<8x64x128xf32, #tpu.memory_space<vmem>>[vector<16xi32>, vector<16xi32>, vector<16xi32>], vector<16xf32>,
      %max3A_405 = arith.maximumf %max3A_380, %gather3A_404 : vector<16xf32>
      %add3A_406 = arith.constant 48 : i32
      %add3A_407 = vector.broadcast %add3A_406 : i32 to vector<16xi32>
      %add3A_408 = arith.addi %add3A_407, %iota3A : vector<16xi32>
      %gather3A_409 = tpu.vector_load_idx %arg7[%broadcast_in_dim3A_387, %add3A_408, %broadcast_in_dim3A_390] : memref<8x64x128xf32, #tpu.memory_space<vmem>>[vector<16xi32>, vector<16xi32>, vector<16xi32>], vector<16xf32>,
      %max3A_410 = arith.maximumf %max3A_385, %gather3A_409 : vector<16xf32>
      %broadcast_in_dim3A_411 = arith.constant 7 : i32
      %broadcast_in_dim3A_412 = vector.broadcast %broadcast_in_dim3A_411 : i32 to vector<16xi32>
      %slice3A_413 = vector.extract_strided_slice %and3A_14 {offsets = [7], sizes = [1], strides = [1]} : vector<16xi32> to vector<1xi32>
      %squeeze3A_414 = vector.extract %slice3A_413[0] : i32 from vector<1xi32>
      %broadcast_in_dim3A_415 = vector.broadcast %squeeze3A_414 : i32 to vector<16xi32>
      %add3A_416 = arith.constant 0 : i32
      %add3A_417 = vector.broadcast %add3A_416 : i32 to vector<16xi32>
      %add3A_418 = arith.addi %add3A_417, %iota3A : vector<16xi32>
      %gather3A_419 = tpu.vector_load_idx %arg7[%broadcast_in_dim3A_412, %add3A_418, %broadcast_in_dim3A_415] : memref<8x64x128xf32, #tpu.memory_space<vmem>>[vector<16xi32>, vector<16xi32>, vector<16xi32>], vector<16xf32>,
      %max3A_420 = arith.maximumf %max3A_395, %gather3A_419 : vector<16xf32>
      %add3A_421 = arith.constant 16 : i32
      %add3A_422 = vector.broadcast %add3A_421 : i32 to vector<16xi32>
      %add3A_423 = arith.addi %add3A_422, %iota3A : vector<16xi32>
      %gather3A_424 = tpu.vector_load_idx %arg7[%broadcast_in_dim3A_412, %add3A_423, %broadcast_in_dim3A_415] : memref<8x64x128xf32, #tpu.memory_space<vmem>>[vector<16xi32>, vector<16xi32>, vector<16xi32>], vector<16xf32>,
      %max3A_425 = arith.maximumf %max3A_400, %gather3A_424 : vector<16xf32>
      %add3A_426 = arith.constant 32 : i32
      %add3A_427 = vector.broadcast %add3A_426 : i32 to vector<16xi32>
      %add3A_428 = arith.addi %add3A_427, %iota3A : vector<16xi32>
      %gather3A_429 = tpu.vector_load_idx %arg7[%broadcast_in_dim3A_412, %add3A_428, %broadcast_in_dim3A_415] : memref<8x64x128xf32, #tpu.memory_space<vmem>>[vector<16xi32>, vector<16xi32>, vector<16xi32>], vector<16xf32>,
      %max3A_430 = arith.maximumf %max3A_405, %gather3A_429 : vector<16xf32>
      %add3A_431 = arith.constant 48 : i32
      %add3A_432 = vector.broadcast %add3A_431 : i32 to vector<16xi32>
      %add3A_433 = arith.addi %add3A_432, %iota3A : vector<16xi32>
      %gather3A_434 = tpu.vector_load_idx %arg7[%broadcast_in_dim3A_412, %add3A_433, %broadcast_in_dim3A_415] : memref<8x64x128xf32, #tpu.memory_space<vmem>>[vector<16xi32>, vector<16xi32>, vector<16xi32>], vector<16xf32>,
      %max3A_435 = arith.maximumf %max3A_410, %gather3A_434 : vector<16xf32>
      %swap3A = arith.constant 0 : index
      %swap3A_436 = tpu.vector_load %arg8[%swap3A] {strides = array<i32>} : memref<64xf32, #tpu.memory_space<vmem>>, vector<16xf32>,
      tpu.vector_store %arg8[%swap3A], %max3A_420 {strides = array<i32>} : memref<64xf32, #tpu.memory_space<vmem>>, vector<16xf32>,
      %swap3A_437 = arith.constant 16 : index
      %swap3A_438 = tpu.vector_load %arg8[%swap3A_437] {strides = array<i32>} : memref<64xf32, #tpu.memory_space<vmem>>, vector<16xf32>,
      tpu.vector_store %arg8[%swap3A_437], %max3A_425 {strides = array<i32>} : memref<64xf32, #tpu.memory_space<vmem>>, vector<16xf32>,
      %swap3A_439 = arith.constant 32 : index
      %swap3A_440 = tpu.vector_load %arg8[%swap3A_439] {strides = array<i32>} : memref<64xf32, #tpu.memory_space<vmem>>, vector<16xf32>,
      tpu.vector_store %arg8[%swap3A_439], %max3A_430 {strides = array<i32>} : memref<64xf32, #tpu.memory_space<vmem>>, vector<16xf32>,
      %swap3A_441 = arith.constant 48 : index
      %swap3A_442 = tpu.vector_load %arg8[%swap3A_441] {strides = array<i32>} : memref<64xf32, #tpu.memory_space<vmem>>, vector<16xf32>,
      tpu.vector_store %arg8[%swap3A_441], %max3A_435 {strides = array<i32>} : memref<64xf32, #tpu.memory_space<vmem>>, vector<16xf32>,
      %eq3A_443 = arith.constant 0 : i32
      %eq3A_444 = arith.cmpi eq, %arg1, %eq3A_443 : i32
      %convert_element_type3A_445 = arith.extui %eq3A_444 : i1 to i32
      %cond3A_446 = arith.constant 0 : i32
      %cond3A_447 = arith.cmpi ne, %convert_element_type3A_445, %cond3A_446 : i32
      scf.if %cond3A_447 {
        "tpu.region"() ({
          %run_scoped3A = tpu.sem_alloc : memref<!tpu.dma_semaphore, #tpu.memory_space<semaphore_mem>>
          tpu.enqueue_dma source(%arg8 : memref<64xf32, #tpu.memory_space<vmem>>) target(%arg12 : memref<64xf32, #tpu.memory_space<vmem_shared>>) target_semaphore(%run_scoped3A : memref<!tpu.dma_semaphore, #tpu.memory_space<semaphore_mem>>)
          tpu.wait_dma2 semaphore(%run_scoped3A : memref<!tpu.dma_semaphore, #tpu.memory_space<semaphore_mem>>) src(%arg8 : memref<64xf32, #tpu.memory_space<vmem>>) dst(%arg12 : memref<64xf32, #tpu.memory_space<vmem_shared>>)
          tpu.yield
        }) : () -> ()
      } else {
      }
      %eq3A_448 = arith.constant 1 : i32
      %eq3A_449 = arith.cmpi eq, %arg1, %eq3A_448 : i32
      %convert_element_type3A_450 = arith.extui %eq3A_449 : i1 to i32
      %cond3A_451 = arith.constant 0 : i32
      %cond3A_452 = arith.cmpi ne, %convert_element_type3A_450, %cond3A_451 : i32
      scf.if %cond3A_452 {
        "tpu.region"() ({
          %run_scoped3A = tpu.sem_alloc : memref<!tpu.dma_semaphore, #tpu.memory_space<semaphore_mem>>
          tpu.enqueue_dma source(%arg8 : memref<64xf32, #tpu.memory_space<vmem>>) target(%arg13 : memref<64xf32, #tpu.memory_space<vmem_shared>>) target_semaphore(%run_scoped3A : memref<!tpu.dma_semaphore, #tpu.memory_space<semaphore_mem>>)
          tpu.wait_dma2 semaphore(%run_scoped3A : memref<!tpu.dma_semaphore, #tpu.memory_space<semaphore_mem>>) src(%arg8 : memref<64xf32, #tpu.memory_space<vmem>>) dst(%arg13 : memref<64xf32, #tpu.memory_space<vmem_shared>>)
          tpu.yield
        }) : () -> ()
      } else {
      }
      %eq3A_453 = arith.constant 2 : i32
      %eq3A_454 = arith.cmpi eq, %arg1, %eq3A_453 : i32
      %convert_element_type3A_455 = arith.extui %eq3A_454 : i1 to i32
      %cond3A_456 = arith.constant 0 : i32
      %cond3A_457 = arith.cmpi ne, %convert_element_type3A_455, %cond3A_456 : i32
      scf.if %cond3A_457 {
        "tpu.region"() ({
          %run_scoped3A = tpu.sem_alloc : memref<!tpu.dma_semaphore, #tpu.memory_space<semaphore_mem>>
          tpu.enqueue_dma source(%arg8 : memref<64xf32, #tpu.memory_space<vmem>>) target(%arg14 : memref<64xf32, #tpu.memory_space<vmem_shared>>) target_semaphore(%run_scoped3A : memref<!tpu.dma_semaphore, #tpu.memory_space<semaphore_mem>>)
          tpu.wait_dma2 semaphore(%run_scoped3A : memref<!tpu.dma_semaphore, #tpu.memory_space<semaphore_mem>>) src(%arg8 : memref<64xf32, #tpu.memory_space<vmem>>) dst(%arg14 : memref<64xf32, #tpu.memory_space<vmem_shared>>)
          tpu.yield
        }) : () -> ()
      } else {
      }
      %eq3A_458 = arith.constant 3 : i32
      %eq3A_459 = arith.cmpi eq, %arg1, %eq3A_458 : i32
      %convert_element_type3A_460 = arith.extui %eq3A_459 : i1 to i32
      %cond3A_461 = arith.constant 0 : i32
      %cond3A_462 = arith.cmpi ne, %convert_element_type3A_460, %cond3A_461 : i32
      scf.if %cond3A_462 {
        "tpu.region"() ({
          %run_scoped3A = tpu.sem_alloc : memref<!tpu.dma_semaphore, #tpu.memory_space<semaphore_mem>>
          tpu.enqueue_dma source(%arg8 : memref<64xf32, #tpu.memory_space<vmem>>) target(%arg15 : memref<64xf32, #tpu.memory_space<vmem_shared>>) target_semaphore(%run_scoped3A : memref<!tpu.dma_semaphore, #tpu.memory_space<semaphore_mem>>)
          tpu.wait_dma2 semaphore(%run_scoped3A : memref<!tpu.dma_semaphore, #tpu.memory_space<semaphore_mem>>) src(%arg8 : memref<64xf32, #tpu.memory_space<vmem>>) dst(%arg15 : memref<64xf32, #tpu.memory_space<vmem_shared>>)
          tpu.yield
        }) : () -> ()
      } else {
      }
      %eq3A_463 = arith.constant 4 : i32
      %eq3A_464 = arith.cmpi eq, %arg1, %eq3A_463 : i32
      %convert_element_type3A_465 = arith.extui %eq3A_464 : i1 to i32
      %cond3A_466 = arith.constant 0 : i32
      %cond3A_467 = arith.cmpi ne, %convert_element_type3A_465, %cond3A_466 : i32
      scf.if %cond3A_467 {
        "tpu.region"() ({
          %run_scoped3A = tpu.sem_alloc : memref<!tpu.dma_semaphore, #tpu.memory_space<semaphore_mem>>
          tpu.enqueue_dma source(%arg8 : memref<64xf32, #tpu.memory_space<vmem>>) target(%arg16 : memref<64xf32, #tpu.memory_space<vmem_shared>>) target_semaphore(%run_scoped3A : memref<!tpu.dma_semaphore, #tpu.memory_space<semaphore_mem>>)
          tpu.wait_dma2 semaphore(%run_scoped3A : memref<!tpu.dma_semaphore, #tpu.memory_space<semaphore_mem>>) src(%arg8 : memref<64xf32, #tpu.memory_space<vmem>>) dst(%arg16 : memref<64xf32, #tpu.memory_space<vmem_shared>>)
          tpu.yield
        }) : () -> ()
      } else {
      }
      %eq3A_468 = arith.constant 5 : i32
      %eq3A_469 = arith.cmpi eq, %arg1, %eq3A_468 : i32
      %convert_element_type3A_470 = arith.extui %eq3A_469 : i1 to i32
      %cond3A_471 = arith.constant 0 : i32
      %cond3A_472 = arith.cmpi ne, %convert_element_type3A_470, %cond3A_471 : i32
      scf.if %cond3A_472 {
        "tpu.region"() ({
          %run_scoped3A = tpu.sem_alloc : memref<!tpu.dma_semaphore, #tpu.memory_space<semaphore_mem>>
          tpu.enqueue_dma source(%arg8 : memref<64xf32, #tpu.memory_space<vmem>>) target(%arg17 : memref<64xf32, #tpu.memory_space<vmem_shared>>) target_semaphore(%run_scoped3A : memref<!tpu.dma_semaphore, #tpu.memory_space<semaphore_mem>>)
          tpu.wait_dma2 semaphore(%run_scoped3A : memref<!tpu.dma_semaphore, #tpu.memory_space<semaphore_mem>>) src(%arg8 : memref<64xf32, #tpu.memory_space<vmem>>) dst(%arg17 : memref<64xf32, #tpu.memory_space<vmem_shared>>)
          tpu.yield
        }) : () -> ()
      } else {
      }
      %eq3A_473 = arith.constant 6 : i32
      %eq3A_474 = arith.cmpi eq, %arg1, %eq3A_473 : i32
      %convert_element_type3A_475 = arith.extui %eq3A_474 : i1 to i32
      %cond3A_476 = arith.constant 0 : i32
      %cond3A_477 = arith.cmpi ne, %convert_element_type3A_475, %cond3A_476 : i32
      scf.if %cond3A_477 {
        "tpu.region"() ({
          %run_scoped3A = tpu.sem_alloc : memref<!tpu.dma_semaphore, #tpu.memory_space<semaphore_mem>>
          tpu.enqueue_dma source(%arg8 : memref<64xf32, #tpu.memory_space<vmem>>) target(%arg18 : memref<64xf32, #tpu.memory_space<vmem_shared>>) target_semaphore(%run_scoped3A : memref<!tpu.dma_semaphore, #tpu.memory_space<semaphore_mem>>)
          tpu.wait_dma2 semaphore(%run_scoped3A : memref<!tpu.dma_semaphore, #tpu.memory_space<semaphore_mem>>) src(%arg8 : memref<64xf32, #tpu.memory_space<vmem>>) dst(%arg18 : memref<64xf32, #tpu.memory_space<vmem_shared>>)
          tpu.yield
        }) : () -> ()
      } else {
      }
      %eq3A_478 = arith.constant 7 : i32
      %eq3A_479 = arith.cmpi eq, %arg1, %eq3A_478 : i32
      %convert_element_type3A_480 = arith.extui %eq3A_479 : i1 to i32
      %cond3A_481 = arith.constant 0 : i32
      %cond3A_482 = arith.cmpi ne, %convert_element_type3A_480, %cond3A_481 : i32
      scf.if %cond3A_482 {
        "tpu.region"() ({
          %run_scoped3A = tpu.sem_alloc : memref<!tpu.dma_semaphore, #tpu.memory_space<semaphore_mem>>
          tpu.enqueue_dma source(%arg8 : memref<64xf32, #tpu.memory_space<vmem>>) target(%arg19 : memref<64xf32, #tpu.memory_space<vmem_shared>>) target_semaphore(%run_scoped3A : memref<!tpu.dma_semaphore, #tpu.memory_space<semaphore_mem>>)
          tpu.wait_dma2 semaphore(%run_scoped3A : memref<!tpu.dma_semaphore, #tpu.memory_space<semaphore_mem>>) src(%arg8 : memref<64xf32, #tpu.memory_space<vmem>>) dst(%arg19 : memref<64xf32, #tpu.memory_space<vmem_shared>>)
          tpu.yield
        }) : () -> ()
      } else {
      }
      %eq3A_483 = arith.constant 8 : i32
      %eq3A_484 = arith.cmpi eq, %arg1, %eq3A_483 : i32
      %convert_element_type3A_485 = arith.extui %eq3A_484 : i1 to i32
      %cond3A_486 = arith.constant 0 : i32
      %cond3A_487 = arith.cmpi ne, %convert_element_type3A_485, %cond3A_486 : i32
      scf.if %cond3A_487 {
        "tpu.region"() ({
          %run_scoped3A = tpu.sem_alloc : memref<!tpu.dma_semaphore, #tpu.memory_space<semaphore_mem>>
          tpu.enqueue_dma source(%arg8 : memref<64xf32, #tpu.memory_space<vmem>>) target(%arg20 : memref<64xf32, #tpu.memory_space<vmem_shared>>) target_semaphore(%run_scoped3A : memref<!tpu.dma_semaphore, #tpu.memory_space<semaphore_mem>>)
          tpu.wait_dma2 semaphore(%run_scoped3A : memref<!tpu.dma_semaphore, #tpu.memory_space<semaphore_mem>>) src(%arg8 : memref<64xf32, #tpu.memory_space<vmem>>) dst(%arg20 : memref<64xf32, #tpu.memory_space<vmem_shared>>)
          tpu.yield
        }) : () -> ()
      } else {
      }
      %eq3A_488 = arith.constant 9 : i32
      %eq3A_489 = arith.cmpi eq, %arg1, %eq3A_488 : i32
      %convert_element_type3A_490 = arith.extui %eq3A_489 : i1 to i32
      %cond3A_491 = arith.constant 0 : i32
      %cond3A_492 = arith.cmpi ne, %convert_element_type3A_490, %cond3A_491 : i32
      scf.if %cond3A_492 {
        "tpu.region"() ({
          %run_scoped3A = tpu.sem_alloc : memref<!tpu.dma_semaphore, #tpu.memory_space<semaphore_mem>>
          tpu.enqueue_dma source(%arg8 : memref<64xf32, #tpu.memory_space<vmem>>) target(%arg21 : memref<64xf32, #tpu.memory_space<vmem_shared>>) target_semaphore(%run_scoped3A : memref<!tpu.dma_semaphore, #tpu.memory_space<semaphore_mem>>)
          tpu.wait_dma2 semaphore(%run_scoped3A : memref<!tpu.dma_semaphore, #tpu.memory_space<semaphore_mem>>) src(%arg8 : memref<64xf32, #tpu.memory_space<vmem>>) dst(%arg21 : memref<64xf32, #tpu.memory_space<vmem_shared>>)
          tpu.yield
        }) : () -> ()
      } else {
      }
      %eq3A_493 = arith.constant 10 : i32
      %eq3A_494 = arith.cmpi eq, %arg1, %eq3A_493 : i32
      %convert_element_type3A_495 = arith.extui %eq3A_494 : i1 to i32
      %cond3A_496 = arith.constant 0 : i32
      %cond3A_497 = arith.cmpi ne, %convert_element_type3A_495, %cond3A_496 : i32
      scf.if %cond3A_497 {
        "tpu.region"() ({
          %run_scoped3A = tpu.sem_alloc : memref<!tpu.dma_semaphore, #tpu.memory_space<semaphore_mem>>
          tpu.enqueue_dma source(%arg8 : memref<64xf32, #tpu.memory_space<vmem>>) target(%arg22 : memref<64xf32, #tpu.memory_space<vmem_shared>>) target_semaphore(%run_scoped3A : memref<!tpu.dma_semaphore, #tpu.memory_space<semaphore_mem>>)
          tpu.wait_dma2 semaphore(%run_scoped3A : memref<!tpu.dma_semaphore, #tpu.memory_space<semaphore_mem>>) src(%arg8 : memref<64xf32, #tpu.memory_space<vmem>>) dst(%arg22 : memref<64xf32, #tpu.memory_space<vmem_shared>>)
          tpu.yield
        }) : () -> ()
      } else {
      }
      %eq3A_498 = arith.constant 11 : i32
      %eq3A_499 = arith.cmpi eq, %arg1, %eq3A_498 : i32
      %convert_element_type3A_500 = arith.extui %eq3A_499 : i1 to i32
      %cond3A_501 = arith.constant 0 : i32
      %cond3A_502 = arith.cmpi ne, %convert_element_type3A_500, %cond3A_501 : i32
      scf.if %cond3A_502 {
        "tpu.region"() ({
          %run_scoped3A = tpu.sem_alloc : memref<!tpu.dma_semaphore, #tpu.memory_space<semaphore_mem>>
          tpu.enqueue_dma source(%arg8 : memref<64xf32, #tpu.memory_space<vmem>>) target(%arg23 : memref<64xf32, #tpu.memory_space<vmem_shared>>) target_semaphore(%run_scoped3A : memref<!tpu.dma_semaphore, #tpu.memory_space<semaphore_mem>>)
          tpu.wait_dma2 semaphore(%run_scoped3A : memref<!tpu.dma_semaphore, #tpu.memory_space<semaphore_mem>>) src(%arg8 : memref<64xf32, #tpu.memory_space<vmem>>) dst(%arg23 : memref<64xf32, #tpu.memory_space<vmem_shared>>)
          tpu.yield
        }) : () -> ()
      } else {
      }
      %eq3A_503 = arith.constant 12 : i32
      %eq3A_504 = arith.cmpi eq, %arg1, %eq3A_503 : i32
      %convert_element_type3A_505 = arith.extui %eq3A_504 : i1 to i32
      %cond3A_506 = arith.constant 0 : i32
      %cond3A_507 = arith.cmpi ne, %convert_element_type3A_505, %cond3A_506 : i32
      scf.if %cond3A_507 {
        "tpu.region"() ({
          %run_scoped3A = tpu.sem_alloc : memref<!tpu.dma_semaphore, #tpu.memory_space<semaphore_mem>>
          tpu.enqueue_dma source(%arg8 : memref<64xf32, #tpu.memory_space<vmem>>) target(%arg24 : memref<64xf32, #tpu.memory_space<vmem_shared>>) target_semaphore(%run_scoped3A : memref<!tpu.dma_semaphore, #tpu.memory_space<semaphore_mem>>)
          tpu.wait_dma2 semaphore(%run_scoped3A : memref<!tpu.dma_semaphore, #tpu.memory_space<semaphore_mem>>) src(%arg8 : memref<64xf32, #tpu.memory_space<vmem>>) dst(%arg24 : memref<64xf32, #tpu.memory_space<vmem_shared>>)
          tpu.yield
        }) : () -> ()
      } else {
      }
    } else {
    }
    %barrier3A = arith.constant 0 : index
    tpu.barrier barrier_id(%barrier3A)
    %eq3A = arith.constant 0 : i32
    %eq3A_3 = arith.cmpi eq, %arg1, %eq3A : i32
    %convert_element_type3A_4 = arith.extui %eq3A_3 : i1 to i32
    %cond3A_5 = arith.constant 0 : i32
    %cond3A_6 = arith.cmpi ne, %convert_element_type3A_4, %cond3A_5 : i32
    scf.if %cond3A_6 {
      "tpu.region"() ({
        %run_scoped3A = tpu.sem_alloc : memref<!tpu.dma_semaphore, #tpu.memory_space<semaphore_mem>>
        tpu.enqueue_dma source(%arg12 : memref<64xf32, #tpu.memory_space<vmem_shared>>) target(%arg9 : memref<64xf32, #tpu.memory_space<vmem>>) target_semaphore(%run_scoped3A : memref<!tpu.dma_semaphore, #tpu.memory_space<semaphore_mem>>)
        tpu.wait_dma2 semaphore(%run_scoped3A : memref<!tpu.dma_semaphore, #tpu.memory_space<semaphore_mem>>) src(%arg12 : memref<64xf32, #tpu.memory_space<vmem_shared>>) dst(%arg9 : memref<64xf32, #tpu.memory_space<vmem>>)
        tpu.yield
      }) : () -> ()
      %get3A = arith.constant 0 : index
      %get3A_7 = tpu.vector_load %arg9[%get3A] {strides = array<i32>} : memref<64xf32, #tpu.memory_space<vmem>>, vector<16xf32>,
      %get3A_8 = arith.constant 16 : index
      %get3A_9 = tpu.vector_load %arg9[%get3A_8] {strides = array<i32>} : memref<64xf32, #tpu.memory_space<vmem>>, vector<16xf32>,
      %get3A_10 = arith.constant 32 : index
      %get3A_11 = tpu.vector_load %arg9[%get3A_10] {strides = array<i32>} : memref<64xf32, #tpu.memory_space<vmem>>, vector<16xf32>,
      %get3A_12 = arith.constant 48 : index
      %get3A_13 = tpu.vector_load %arg9[%get3A_12] {strides = array<i32>} : memref<64xf32, #tpu.memory_space<vmem>>, vector<16xf32>,
      "tpu.region"() ({
        %run_scoped3A = tpu.sem_alloc : memref<!tpu.dma_semaphore, #tpu.memory_space<semaphore_mem>>
        tpu.enqueue_dma source(%arg13 : memref<64xf32, #tpu.memory_space<vmem_shared>>) target(%arg9 : memref<64xf32, #tpu.memory_space<vmem>>) target_semaphore(%run_scoped3A : memref<!tpu.dma_semaphore, #tpu.memory_space<semaphore_mem>>)
        tpu.wait_dma2 semaphore(%run_scoped3A : memref<!tpu.dma_semaphore, #tpu.memory_space<semaphore_mem>>) src(%arg13 : memref<64xf32, #tpu.memory_space<vmem_shared>>) dst(%arg9 : memref<64xf32, #tpu.memory_space<vmem>>)
        tpu.yield
      }) : () -> ()
      %get3A_14 = arith.constant 0 : index
      %get3A_15 = tpu.vector_load %arg9[%get3A_14] {strides = array<i32>} : memref<64xf32, #tpu.memory_space<vmem>>, vector<16xf32>,
      %max3A = arith.maximumf %get3A_7, %get3A_15 : vector<16xf32>
      %get3A_16 = arith.constant 16 : index
      %get3A_17 = tpu.vector_load %arg9[%get3A_16] {strides = array<i32>} : memref<64xf32, #tpu.memory_space<vmem>>, vector<16xf32>,
      %max3A_18 = arith.maximumf %get3A_9, %get3A_17 : vector<16xf32>
      %get3A_19 = arith.constant 32 : index
      %get3A_20 = tpu.vector_load %arg9[%get3A_19] {strides = array<i32>} : memref<64xf32, #tpu.memory_space<vmem>>, vector<16xf32>,
      %max3A_21 = arith.maximumf %get3A_11, %get3A_20 : vector<16xf32>
      %get3A_22 = arith.constant 48 : index
      %get3A_23 = tpu.vector_load %arg9[%get3A_22] {strides = array<i32>} : memref<64xf32, #tpu.memory_space<vmem>>, vector<16xf32>,
      %max3A_24 = arith.maximumf %get3A_13, %get3A_23 : vector<16xf32>
      "tpu.region"() ({
        %run_scoped3A = tpu.sem_alloc : memref<!tpu.dma_semaphore, #tpu.memory_space<semaphore_mem>>
        tpu.enqueue_dma source(%arg14 : memref<64xf32, #tpu.memory_space<vmem_shared>>) target(%arg9 : memref<64xf32, #tpu.memory_space<vmem>>) target_semaphore(%run_scoped3A : memref<!tpu.dma_semaphore, #tpu.memory_space<semaphore_mem>>)
        tpu.wait_dma2 semaphore(%run_scoped3A : memref<!tpu.dma_semaphore, #tpu.memory_space<semaphore_mem>>) src(%arg14 : memref<64xf32, #tpu.memory_space<vmem_shared>>) dst(%arg9 : memref<64xf32, #tpu.memory_space<vmem>>)
        tpu.yield
      }) : () -> ()
      %get3A_25 = arith.constant 0 : index
      %get3A_26 = tpu.vector_load %arg9[%get3A_25] {strides = array<i32>} : memref<64xf32, #tpu.memory_space<vmem>>, vector<16xf32>,
      %max3A_27 = arith.maximumf %max3A, %get3A_26 : vector<16xf32>
      %get3A_28 = arith.constant 16 : index
      %get3A_29 = tpu.vector_load %arg9[%get3A_28] {strides = array<i32>} : memref<64xf32, #tpu.memory_space<vmem>>, vector<16xf32>,
      %max3A_30 = arith.maximumf %max3A_18, %get3A_29 : vector<16xf32>
      %get3A_31 = arith.constant 32 : index
      %get3A_32 = tpu.vector_load %arg9[%get3A_31] {strides = array<i32>} : memref<64xf32, #tpu.memory_space<vmem>>, vector<16xf32>,
      %max3A_33 = arith.maximumf %max3A_21, %get3A_32 : vector<16xf32>
      %get3A_34 = arith.constant 48 : index
      %get3A_35 = tpu.vector_load %arg9[%get3A_34] {strides = array<i32>} : memref<64xf32, #tpu.memory_space<vmem>>, vector<16xf32>,
      %max3A_36 = arith.maximumf %max3A_24, %get3A_35 : vector<16xf32>
      "tpu.region"() ({
        %run_scoped3A = tpu.sem_alloc : memref<!tpu.dma_semaphore, #tpu.memory_space<semaphore_mem>>
        tpu.enqueue_dma source(%arg15 : memref<64xf32, #tpu.memory_space<vmem_shared>>) target(%arg9 : memref<64xf32, #tpu.memory_space<vmem>>) target_semaphore(%run_scoped3A : memref<!tpu.dma_semaphore, #tpu.memory_space<semaphore_mem>>)
        tpu.wait_dma2 semaphore(%run_scoped3A : memref<!tpu.dma_semaphore, #tpu.memory_space<semaphore_mem>>) src(%arg15 : memref<64xf32, #tpu.memory_space<vmem_shared>>) dst(%arg9 : memref<64xf32, #tpu.memory_space<vmem>>)
        tpu.yield
      }) : () -> ()
      %get3A_37 = arith.constant 0 : index
      %get3A_38 = tpu.vector_load %arg9[%get3A_37] {strides = array<i32>} : memref<64xf32, #tpu.memory_space<vmem>>, vector<16xf32>,
      %max3A_39 = arith.maximumf %max3A_27, %get3A_38 : vector<16xf32>
      %get3A_40 = arith.constant 16 : index
      %get3A_41 = tpu.vector_load %arg9[%get3A_40] {strides = array<i32>} : memref<64xf32, #tpu.memory_space<vmem>>, vector<16xf32>,
      %max3A_42 = arith.maximumf %max3A_30, %get3A_41 : vector<16xf32>
      %get3A_43 = arith.constant 32 : index
      %get3A_44 = tpu.vector_load %arg9[%get3A_43] {strides = array<i32>} : memref<64xf32, #tpu.memory_space<vmem>>, vector<16xf32>,
      %max3A_45 = arith.maximumf %max3A_33, %get3A_44 : vector<16xf32>
      %get3A_46 = arith.constant 48 : index
      %get3A_47 = tpu.vector_load %arg9[%get3A_46] {strides = array<i32>} : memref<64xf32, #tpu.memory_space<vmem>>, vector<16xf32>,
      %max3A_48 = arith.maximumf %max3A_36, %get3A_47 : vector<16xf32>
      "tpu.region"() ({
        %run_scoped3A = tpu.sem_alloc : memref<!tpu.dma_semaphore, #tpu.memory_space<semaphore_mem>>
        tpu.enqueue_dma source(%arg16 : memref<64xf32, #tpu.memory_space<vmem_shared>>) target(%arg9 : memref<64xf32, #tpu.memory_space<vmem>>) target_semaphore(%run_scoped3A : memref<!tpu.dma_semaphore, #tpu.memory_space<semaphore_mem>>)
        tpu.wait_dma2 semaphore(%run_scoped3A : memref<!tpu.dma_semaphore, #tpu.memory_space<semaphore_mem>>) src(%arg16 : memref<64xf32, #tpu.memory_space<vmem_shared>>) dst(%arg9 : memref<64xf32, #tpu.memory_space<vmem>>)
        tpu.yield
      }) : () -> ()
      %get3A_49 = arith.constant 0 : index
      %get3A_50 = tpu.vector_load %arg9[%get3A_49] {strides = array<i32>} : memref<64xf32, #tpu.memory_space<vmem>>, vector<16xf32>,
      %max3A_51 = arith.maximumf %max3A_39, %get3A_50 : vector<16xf32>
      %get3A_52 = arith.constant 16 : index
      %get3A_53 = tpu.vector_load %arg9[%get3A_52] {strides = array<i32>} : memref<64xf32, #tpu.memory_space<vmem>>, vector<16xf32>,
      %max3A_54 = arith.maximumf %max3A_42, %get3A_53 : vector<16xf32>
      %get3A_55 = arith.constant 32 : index
      %get3A_56 = tpu.vector_load %arg9[%get3A_55] {strides = array<i32>} : memref<64xf32, #tpu.memory_space<vmem>>, vector<16xf32>,
      %max3A_57 = arith.maximumf %max3A_45, %get3A_56 : vector<16xf32>
      %get3A_58 = arith.constant 48 : index
      %get3A_59 = tpu.vector_load %arg9[%get3A_58] {strides = array<i32>} : memref<64xf32, #tpu.memory_space<vmem>>, vector<16xf32>,
      %max3A_60 = arith.maximumf %max3A_48, %get3A_59 : vector<16xf32>
      "tpu.region"() ({
        %run_scoped3A = tpu.sem_alloc : memref<!tpu.dma_semaphore, #tpu.memory_space<semaphore_mem>>
        tpu.enqueue_dma source(%arg17 : memref<64xf32, #tpu.memory_space<vmem_shared>>) target(%arg9 : memref<64xf32, #tpu.memory_space<vmem>>) target_semaphore(%run_scoped3A : memref<!tpu.dma_semaphore, #tpu.memory_space<semaphore_mem>>)
        tpu.wait_dma2 semaphore(%run_scoped3A : memref<!tpu.dma_semaphore, #tpu.memory_space<semaphore_mem>>) src(%arg17 : memref<64xf32, #tpu.memory_space<vmem_shared>>) dst(%arg9 : memref<64xf32, #tpu.memory_space<vmem>>)
        tpu.yield
      }) : () -> ()
      %get3A_61 = arith.constant 0 : index
      %get3A_62 = tpu.vector_load %arg9[%get3A_61] {strides = array<i32>} : memref<64xf32, #tpu.memory_space<vmem>>, vector<16xf32>,
      %max3A_63 = arith.maximumf %max3A_51, %get3A_62 : vector<16xf32>
      %get3A_64 = arith.constant 16 : index
      %get3A_65 = tpu.vector_load %arg9[%get3A_64] {strides = array<i32>} : memref<64xf32, #tpu.memory_space<vmem>>, vector<16xf32>,
      %max3A_66 = arith.maximumf %max3A_54, %get3A_65 : vector<16xf32>
      %get3A_67 = arith.constant 32 : index
      %get3A_68 = tpu.vector_load %arg9[%get3A_67] {strides = array<i32>} : memref<64xf32, #tpu.memory_space<vmem>>, vector<16xf32>,
      %max3A_69 = arith.maximumf %max3A_57, %get3A_68 : vector<16xf32>
      %get3A_70 = arith.constant 48 : index
      %get3A_71 = tpu.vector_load %arg9[%get3A_70] {strides = array<i32>} : memref<64xf32, #tpu.memory_space<vmem>>, vector<16xf32>,
      %max3A_72 = arith.maximumf %max3A_60, %get3A_71 : vector<16xf32>
      "tpu.region"() ({
        %run_scoped3A = tpu.sem_alloc : memref<!tpu.dma_semaphore, #tpu.memory_space<semaphore_mem>>
        tpu.enqueue_dma source(%arg18 : memref<64xf32, #tpu.memory_space<vmem_shared>>) target(%arg9 : memref<64xf32, #tpu.memory_space<vmem>>) target_semaphore(%run_scoped3A : memref<!tpu.dma_semaphore, #tpu.memory_space<semaphore_mem>>)
        tpu.wait_dma2 semaphore(%run_scoped3A : memref<!tpu.dma_semaphore, #tpu.memory_space<semaphore_mem>>) src(%arg18 : memref<64xf32, #tpu.memory_space<vmem_shared>>) dst(%arg9 : memref<64xf32, #tpu.memory_space<vmem>>)
        tpu.yield
      }) : () -> ()
      %get3A_73 = arith.constant 0 : index
      %get3A_74 = tpu.vector_load %arg9[%get3A_73] {strides = array<i32>} : memref<64xf32, #tpu.memory_space<vmem>>, vector<16xf32>,
      %max3A_75 = arith.maximumf %max3A_63, %get3A_74 : vector<16xf32>
      %get3A_76 = arith.constant 16 : index
      %get3A_77 = tpu.vector_load %arg9[%get3A_76] {strides = array<i32>} : memref<64xf32, #tpu.memory_space<vmem>>, vector<16xf32>,
      %max3A_78 = arith.maximumf %max3A_66, %get3A_77 : vector<16xf32>
      %get3A_79 = arith.constant 32 : index
      %get3A_80 = tpu.vector_load %arg9[%get3A_79] {strides = array<i32>} : memref<64xf32, #tpu.memory_space<vmem>>, vector<16xf32>,
      %max3A_81 = arith.maximumf %max3A_69, %get3A_80 : vector<16xf32>
      %get3A_82 = arith.constant 48 : index
      %get3A_83 = tpu.vector_load %arg9[%get3A_82] {strides = array<i32>} : memref<64xf32, #tpu.memory_space<vmem>>, vector<16xf32>,
      %max3A_84 = arith.maximumf %max3A_72, %get3A_83 : vector<16xf32>
      "tpu.region"() ({
        %run_scoped3A = tpu.sem_alloc : memref<!tpu.dma_semaphore, #tpu.memory_space<semaphore_mem>>
        tpu.enqueue_dma source(%arg19 : memref<64xf32, #tpu.memory_space<vmem_shared>>) target(%arg9 : memref<64xf32, #tpu.memory_space<vmem>>) target_semaphore(%run_scoped3A : memref<!tpu.dma_semaphore, #tpu.memory_space<semaphore_mem>>)
        tpu.wait_dma2 semaphore(%run_scoped3A : memref<!tpu.dma_semaphore, #tpu.memory_space<semaphore_mem>>) src(%arg19 : memref<64xf32, #tpu.memory_space<vmem_shared>>) dst(%arg9 : memref<64xf32, #tpu.memory_space<vmem>>)
        tpu.yield
      }) : () -> ()
      %get3A_85 = arith.constant 0 : index
      %get3A_86 = tpu.vector_load %arg9[%get3A_85] {strides = array<i32>} : memref<64xf32, #tpu.memory_space<vmem>>, vector<16xf32>,
      %max3A_87 = arith.maximumf %max3A_75, %get3A_86 : vector<16xf32>
      %get3A_88 = arith.constant 16 : index
      %get3A_89 = tpu.vector_load %arg9[%get3A_88] {strides = array<i32>} : memref<64xf32, #tpu.memory_space<vmem>>, vector<16xf32>,
      %max3A_90 = arith.maximumf %max3A_78, %get3A_89 : vector<16xf32>
      %get3A_91 = arith.constant 32 : index
      %get3A_92 = tpu.vector_load %arg9[%get3A_91] {strides = array<i32>} : memref<64xf32, #tpu.memory_space<vmem>>, vector<16xf32>,
      %max3A_93 = arith.maximumf %max3A_81, %get3A_92 : vector<16xf32>
      %get3A_94 = arith.constant 48 : index
      %get3A_95 = tpu.vector_load %arg9[%get3A_94] {strides = array<i32>} : memref<64xf32, #tpu.memory_space<vmem>>, vector<16xf32>,
      %max3A_96 = arith.maximumf %max3A_84, %get3A_95 : vector<16xf32>
      "tpu.region"() ({
        %run_scoped3A = tpu.sem_alloc : memref<!tpu.dma_semaphore, #tpu.memory_space<semaphore_mem>>
        tpu.enqueue_dma source(%arg20 : memref<64xf32, #tpu.memory_space<vmem_shared>>) target(%arg9 : memref<64xf32, #tpu.memory_space<vmem>>) target_semaphore(%run_scoped3A : memref<!tpu.dma_semaphore, #tpu.memory_space<semaphore_mem>>)
        tpu.wait_dma2 semaphore(%run_scoped3A : memref<!tpu.dma_semaphore, #tpu.memory_space<semaphore_mem>>) src(%arg20 : memref<64xf32, #tpu.memory_space<vmem_shared>>) dst(%arg9 : memref<64xf32, #tpu.memory_space<vmem>>)
        tpu.yield
      }) : () -> ()
      %get3A_97 = arith.constant 0 : index
      %get3A_98 = tpu.vector_load %arg9[%get3A_97] {strides = array<i32>} : memref<64xf32, #tpu.memory_space<vmem>>, vector<16xf32>,
      %max3A_99 = arith.maximumf %max3A_87, %get3A_98 : vector<16xf32>
      %get3A_100 = arith.constant 16 : index
      %get3A_101 = tpu.vector_load %arg9[%get3A_100] {strides = array<i32>} : memref<64xf32, #tpu.memory_space<vmem>>, vector<16xf32>,
      %max3A_102 = arith.maximumf %max3A_90, %get3A_101 : vector<16xf32>
      %get3A_103 = arith.constant 32 : index
      %get3A_104 = tpu.vector_load %arg9[%get3A_103] {strides = array<i32>} : memref<64xf32, #tpu.memory_space<vmem>>, vector<16xf32>,
      %max3A_105 = arith.maximumf %max3A_93, %get3A_104 : vector<16xf32>
      %get3A_106 = arith.constant 48 : index
      %get3A_107 = tpu.vector_load %arg9[%get3A_106] {strides = array<i32>} : memref<64xf32, #tpu.memory_space<vmem>>, vector<16xf32>,
      %max3A_108 = arith.maximumf %max3A_96, %get3A_107 : vector<16xf32>
      "tpu.region"() ({
        %run_scoped3A = tpu.sem_alloc : memref<!tpu.dma_semaphore, #tpu.memory_space<semaphore_mem>>
        tpu.enqueue_dma source(%arg21 : memref<64xf32, #tpu.memory_space<vmem_shared>>) target(%arg9 : memref<64xf32, #tpu.memory_space<vmem>>) target_semaphore(%run_scoped3A : memref<!tpu.dma_semaphore, #tpu.memory_space<semaphore_mem>>)
        tpu.wait_dma2 semaphore(%run_scoped3A : memref<!tpu.dma_semaphore, #tpu.memory_space<semaphore_mem>>) src(%arg21 : memref<64xf32, #tpu.memory_space<vmem_shared>>) dst(%arg9 : memref<64xf32, #tpu.memory_space<vmem>>)
        tpu.yield
      }) : () -> ()
      %get3A_109 = arith.constant 0 : index
      %get3A_110 = tpu.vector_load %arg9[%get3A_109] {strides = array<i32>} : memref<64xf32, #tpu.memory_space<vmem>>, vector<16xf32>,
      %max3A_111 = arith.maximumf %max3A_99, %get3A_110 : vector<16xf32>
      %get3A_112 = arith.constant 16 : index
      %get3A_113 = tpu.vector_load %arg9[%get3A_112] {strides = array<i32>} : memref<64xf32, #tpu.memory_space<vmem>>, vector<16xf32>,
      %max3A_114 = arith.maximumf %max3A_102, %get3A_113 : vector<16xf32>
      %get3A_115 = arith.constant 32 : index
      %get3A_116 = tpu.vector_load %arg9[%get3A_115] {strides = array<i32>} : memref<64xf32, #tpu.memory_space<vmem>>, vector<16xf32>,
      %max3A_117 = arith.maximumf %max3A_105, %get3A_116 : vector<16xf32>
      %get3A_118 = arith.constant 48 : index
      %get3A_119 = tpu.vector_load %arg9[%get3A_118] {strides = array<i32>} : memref<64xf32, #tpu.memory_space<vmem>>, vector<16xf32>,
      %max3A_120 = arith.maximumf %max3A_108, %get3A_119 : vector<16xf32>
      "tpu.region"() ({
        %run_scoped3A = tpu.sem_alloc : memref<!tpu.dma_semaphore, #tpu.memory_space<semaphore_mem>>
        tpu.enqueue_dma source(%arg22 : memref<64xf32, #tpu.memory_space<vmem_shared>>) target(%arg9 : memref<64xf32, #tpu.memory_space<vmem>>) target_semaphore(%run_scoped3A : memref<!tpu.dma_semaphore, #tpu.memory_space<semaphore_mem>>)
        tpu.wait_dma2 semaphore(%run_scoped3A : memref<!tpu.dma_semaphore, #tpu.memory_space<semaphore_mem>>) src(%arg22 : memref<64xf32, #tpu.memory_space<vmem_shared>>) dst(%arg9 : memref<64xf32, #tpu.memory_space<vmem>>)
        tpu.yield
      }) : () -> ()
      %get3A_121 = arith.constant 0 : index
      %get3A_122 = tpu.vector_load %arg9[%get3A_121] {strides = array<i32>} : memref<64xf32, #tpu.memory_space<vmem>>, vector<16xf32>,
      %max3A_123 = arith.maximumf %max3A_111, %get3A_122 : vector<16xf32>
      %get3A_124 = arith.constant 16 : index
      %get3A_125 = tpu.vector_load %arg9[%get3A_124] {strides = array<i32>} : memref<64xf32, #tpu.memory_space<vmem>>, vector<16xf32>,
      %max3A_126 = arith.maximumf %max3A_114, %get3A_125 : vector<16xf32>
      %get3A_127 = arith.constant 32 : index
      %get3A_128 = tpu.vector_load %arg9[%get3A_127] {strides = array<i32>} : memref<64xf32, #tpu.memory_space<vmem>>, vector<16xf32>,
      %max3A_129 = arith.maximumf %max3A_117, %get3A_128 : vector<16xf32>
      %get3A_130 = arith.constant 48 : index
      %get3A_131 = tpu.vector_load %arg9[%get3A_130] {strides = array<i32>} : memref<64xf32, #tpu.memory_space<vmem>>, vector<16xf32>,
      %max3A_132 = arith.maximumf %max3A_120, %get3A_131 : vector<16xf32>
      "tpu.region"() ({
        %run_scoped3A = tpu.sem_alloc : memref<!tpu.dma_semaphore, #tpu.memory_space<semaphore_mem>>
        tpu.enqueue_dma source(%arg23 : memref<64xf32, #tpu.memory_space<vmem_shared>>) target(%arg9 : memref<64xf32, #tpu.memory_space<vmem>>) target_semaphore(%run_scoped3A : memref<!tpu.dma_semaphore, #tpu.memory_space<semaphore_mem>>)
        tpu.wait_dma2 semaphore(%run_scoped3A : memref<!tpu.dma_semaphore, #tpu.memory_space<semaphore_mem>>) src(%arg23 : memref<64xf32, #tpu.memory_space<vmem_shared>>) dst(%arg9 : memref<64xf32, #tpu.memory_space<vmem>>)
        tpu.yield
      }) : () -> ()
      %get3A_133 = arith.constant 0 : index
      %get3A_134 = tpu.vector_load %arg9[%get3A_133] {strides = array<i32>} : memref<64xf32, #tpu.memory_space<vmem>>, vector<16xf32>,
      %max3A_135 = arith.maximumf %max3A_123, %get3A_134 : vector<16xf32>
      %get3A_136 = arith.constant 16 : index
      %get3A_137 = tpu.vector_load %arg9[%get3A_136] {strides = array<i32>} : memref<64xf32, #tpu.memory_space<vmem>>, vector<16xf32>,
      %max3A_138 = arith.maximumf %max3A_126, %get3A_137 : vector<16xf32>
      %get3A_139 = arith.constant 32 : index
      %get3A_140 = tpu.vector_load %arg9[%get3A_139] {strides = array<i32>} : memref<64xf32, #tpu.memory_space<vmem>>, vector<16xf32>,
      %max3A_141 = arith.maximumf %max3A_129, %get3A_140 : vector<16xf32>
      %get3A_142 = arith.constant 48 : index
      %get3A_143 = tpu.vector_load %arg9[%get3A_142] {strides = array<i32>} : memref<64xf32, #tpu.memory_space<vmem>>, vector<16xf32>,
      %max3A_144 = arith.maximumf %max3A_132, %get3A_143 : vector<16xf32>
      "tpu.region"() ({
        %run_scoped3A = tpu.sem_alloc : memref<!tpu.dma_semaphore, #tpu.memory_space<semaphore_mem>>
        tpu.enqueue_dma source(%arg24 : memref<64xf32, #tpu.memory_space<vmem_shared>>) target(%arg9 : memref<64xf32, #tpu.memory_space<vmem>>) target_semaphore(%run_scoped3A : memref<!tpu.dma_semaphore, #tpu.memory_space<semaphore_mem>>)
        tpu.wait_dma2 semaphore(%run_scoped3A : memref<!tpu.dma_semaphore, #tpu.memory_space<semaphore_mem>>) src(%arg24 : memref<64xf32, #tpu.memory_space<vmem_shared>>) dst(%arg9 : memref<64xf32, #tpu.memory_space<vmem>>)
        tpu.yield
      }) : () -> ()
      %get3A_145 = arith.constant 0 : index
      %get3A_146 = tpu.vector_load %arg9[%get3A_145] {strides = array<i32>} : memref<64xf32, #tpu.memory_space<vmem>>, vector<16xf32>,
      %max3A_147 = arith.maximumf %max3A_135, %get3A_146 : vector<16xf32>
      %get3A_148 = arith.constant 16 : index
      %get3A_149 = tpu.vector_load %arg9[%get3A_148] {strides = array<i32>} : memref<64xf32, #tpu.memory_space<vmem>>, vector<16xf32>,
      %max3A_150 = arith.maximumf %max3A_138, %get3A_149 : vector<16xf32>
      %get3A_151 = arith.constant 32 : index
      %get3A_152 = tpu.vector_load %arg9[%get3A_151] {strides = array<i32>} : memref<64xf32, #tpu.memory_space<vmem>>, vector<16xf32>,
      %max3A_153 = arith.maximumf %max3A_141, %get3A_152 : vector<16xf32>
      %get3A_154 = arith.constant 48 : index
      %get3A_155 = tpu.vector_load %arg9[%get3A_154] {strides = array<i32>} : memref<64xf32, #tpu.memory_space<vmem>>, vector<16xf32>,
      %max3A_156 = arith.maximumf %max3A_144, %get3A_155 : vector<16xf32>
      %swap3A = arith.constant 0 : i32
      %swap3A_157 = arith.index_cast %swap3A : i32 to index
      %swap3A_158 = arith.constant 0 : index
      %swap3A_159 = tpu.vector_load %arg10[%swap3A_157, %swap3A_158] {strides = array<i32>} : memref<1x64xf32, #tpu.memory_space<vmem>>, vector<16xf32>,
      tpu.vector_store %arg10[%swap3A_157, %swap3A_158], %max3A_147 {strides = array<i32>} : memref<1x64xf32, #tpu.memory_space<vmem>>, vector<16xf32>,
      %swap3A_160 = arith.constant 0 : i32
      %swap3A_161 = arith.index_cast %swap3A_160 : i32 to index
      %swap3A_162 = arith.constant 16 : index
      %swap3A_163 = tpu.vector_load %arg10[%swap3A_161, %swap3A_162] {strides = array<i32>} : memref<1x64xf32, #tpu.memory_space<vmem>>, vector<16xf32>,
      tpu.vector_store %arg10[%swap3A_161, %swap3A_162], %max3A_150 {strides = array<i32>} : memref<1x64xf32, #tpu.memory_space<vmem>>, vector<16xf32>,
      %swap3A_164 = arith.constant 0 : i32
      %swap3A_165 = arith.index_cast %swap3A_164 : i32 to index
      %swap3A_166 = arith.constant 32 : index
      %swap3A_167 = tpu.vector_load %arg10[%swap3A_165, %swap3A_166] {strides = array<i32>} : memref<1x64xf32, #tpu.memory_space<vmem>>, vector<16xf32>,
      tpu.vector_store %arg10[%swap3A_165, %swap3A_166], %max3A_153 {strides = array<i32>} : memref<1x64xf32, #tpu.memory_space<vmem>>, vector<16xf32>,
      %swap3A_168 = arith.constant 0 : i32
      %swap3A_169 = arith.index_cast %swap3A_168 : i32 to index
      %swap3A_170 = arith.constant 48 : index
      %swap3A_171 = tpu.vector_load %arg10[%swap3A_169, %swap3A_170] {strides = array<i32>} : memref<1x64xf32, #tpu.memory_space<vmem>>, vector<16xf32>,
      tpu.vector_store %arg10[%swap3A_169, %swap3A_170], %max3A_156 {strides = array<i32>} : memref<1x64xf32, #tpu.memory_space<vmem>>, vector<16xf32>,
      %eq3A_172 = arith.constant 0 : i32
      %eq3A_173 = arith.cmpi eq, %arg0, %eq3A_172 : i32
      %convert_element_type3A_174 = arith.extui %eq3A_173 : i1 to i32
      %cond3A_175 = arith.constant 0 : i32
      %cond3A_176 = arith.cmpi ne, %convert_element_type3A_174, %cond3A_175 : i32
      scf.if %cond3A_176 {
        "tpu.region"() ({
          %run_scoped3A = tpu.sem_alloc : memref<!tpu.dma_semaphore, #tpu.memory_space<semaphore_mem>>
          tpu.enqueue_dma source(%arg10 : memref<1x64xf32, #tpu.memory_space<vmem>>) target(%arg4 : memref<1x64xf32, #tpu.memory_space<hbm>>) target_semaphore(%run_scoped3A : memref<!tpu.dma_semaphore, #tpu.memory_space<semaphore_mem>>)
          tpu.wait_dma2 semaphore(%run_scoped3A : memref<!tpu.dma_semaphore, #tpu.memory_space<semaphore_mem>>) src(%arg10 : memref<1x64xf32, #tpu.memory_space<vmem>>) dst(%arg4 : memref<1x64xf32, #tpu.memory_space<hbm>>)
          tpu.yield
        }) : () -> ()
      } else {
      }
      %eq3A_177 = arith.constant 1 : i32
      %eq3A_178 = arith.cmpi eq, %arg0, %eq3A_177 : i32
      %convert_element_type3A_179 = arith.extui %eq3A_178 : i1 to i32
      %cond3A_180 = arith.constant 0 : i32
      %cond3A_181 = arith.cmpi ne, %convert_element_type3A_179, %cond3A_180 : i32
      scf.if %cond3A_181 {
        "tpu.region"() ({
          %run_scoped3A = tpu.sem_alloc : memref<!tpu.dma_semaphore, #tpu.memory_space<semaphore_mem>>
          tpu.enqueue_dma source(%arg10 : memref<1x64xf32, #tpu.memory_space<vmem>>) target(%arg5 : memref<1x64xf32, #tpu.memory_space<hbm>>) target_semaphore(%run_scoped3A : memref<!tpu.dma_semaphore, #tpu.memory_space<semaphore_mem>>)
          tpu.wait_dma2 semaphore(%run_scoped3A : memref<!tpu.dma_semaphore, #tpu.memory_space<semaphore_mem>>) src(%arg10 : memref<1x64xf32, #tpu.memory_space<vmem>>) dst(%arg5 : memref<1x64xf32, #tpu.memory_space<hbm>>)
          tpu.yield
        }) : () -> ()
      } else {
      }
    } else {
    }
    return
  }
}

module attributes {stable_mosaic.version = 14 : i64} {
  func.func @_tc_combine(%arg0: memref<1x64xf32, #tpu.memory_space<vmem>>, %arg1: memref<1x64xf32, #tpu.memory_space<vmem>>, %arg2: memref<64x10xf32, #tpu.memory_space<vmem>>, %arg3: memref<1x10xf32, #tpu.memory_space<vmem>>, %arg4: memref<1x10xf32, #tpu.memory_space<vmem>>) attributes {dimension_semantics = [], scalar_prefetch = 0 : i64, scratch_operands = 0 : i64, tpu.core_type = #tpu.core_type<tc>} {
    %get3A = arith.constant 0 : index
    %get3A_0 = arith.constant 0 : index
    %get3A_1 = vector.load %arg0[%get3A, %get3A_0] : memref<1x64xf32, #tpu.memory_space<vmem>>, vector<1x64xf32>
    %get3A_2 = arith.constant 0 : index
    %get3A_3 = arith.constant 0 : index
    %get3A_4 = vector.load %arg1[%get3A_2, %get3A_3] : memref<1x64xf32, #tpu.memory_space<vmem>>, vector<1x64xf32>
    %max3A = arith.maximumf %get3A_1, %get3A_4 : vector<1x64xf32>
    %get3A_5 = arith.constant 0 : index
    %get3A_6 = arith.constant 0 : index
    %get3A_7 = vector.load %arg2[%get3A_5, %get3A_6] : memref<64x10xf32, #tpu.memory_space<vmem>>, vector<64x10xf32>
    %dot_general3A = arith.constant dense<0.000000e+00> : vector<1x10xf32>
    %dot_general3A_8 = tpu.matmul %max3A, %get3A_7, %dot_general3A {dimension_numbers = #tpu.dot_dimension_numbers<[1], [0], [0], [1], [0, 0, 1, 1], [], []>, transpose_lhs_hint = false} : vector<1x64xf32>, vector<64x10xf32>, vector<1x10xf32> -> vector<1x10xf32>
    %get3A_9 = arith.constant 0 : index
    %get3A_10 = arith.constant 0 : index
    %get3A_11 = vector.load %arg3[%get3A_9, %get3A_10] : memref<1x10xf32, #tpu.memory_space<vmem>>, vector<1x10xf32>
    %add3A = arith.addf %dot_general3A_8, %get3A_11 : vector<1x10xf32>
    %swap3A = arith.constant 0 : index
    %swap3A_12 = arith.constant 0 : index
    %swap3A_13 = vector.load %arg4[%swap3A, %swap3A_12] : memref<1x10xf32, #tpu.memory_space<vmem>>, vector<1x10xf32>
    tpu.vector_store %arg4[%swap3A, %swap3A_12], %add3A {strides = array<i32>} : memref<1x10xf32, #tpu.memory_space<vmem>>, vector<1x10xf32>,
    return
  }
}

</mosaic_0001>

<sc_bundles>
// kernel: _run.4.cloned.1.call-start
scs
__scs_entry_jumppad:
0x0: {  	(pc) =	sbr.rel $0x88, $3  }
0x1: {  	(tag) =	ssettag $0x0;
	lr =	simm.s32 $0x1  }
0x2: {  	[smem:$0x3F9D] =	sst lr;
	_ =	strace $0xD0000000  }
0x3: {  	_ = 	snop  }
0x4: {  	_ = 	snop  }
0x5: {  	_ = 	snop  }
0x6: {  	_ = 	snop  }
0x7: {  	_ = 	snop  }
__scs_overlays_trampoline_lowered:
0x8: {  	[smem:$0x3FAC] =	sst s0  }
0x9: {  	[smem:$0x3FAD] =	sst s1  }
0xa: {  	[smem:$0x3FAE] =	sst s2  }
0xb: {  	[smem:$0x3FAF] =	sst s3  }
0xc: {  	[smem:$0x3FB0] =	sst s4  }
0xd: {  	[smem:$0x3FB1] =	sst s5  }
0xe: {  	[smem:$0x3FB2] =	sst s6  }
0xf: {  	[smem:$0x3FB3] =	sst s7  }
0x10: {  	[smem:$0x3FB4] =	sst s8  }
0x11: {  	[smem:$0x3FB5] =	sst s9;
	s0 =	simm.s32 @!p0 $0x0  }
0x12: {  	s1 =	sld [smem:$0x3F9B];
	s0 =	simm.s32 @p0 $0x1  }
0x13: {  	[smem:$0x3FB6] =	sst s0;
	s0 =	simm.s32 @!p1 $0x0  }
0x14: {  	s2 =	sld [smem:$0x3F9A];
	s0 =	simm.s32 @p1 $0x1  }
0x15: {  	[smem:$0x3FB7] =	sst s0;
	s0 =	simm.s32 @!p2 $0x0  }
0x16: {  	s3 =	sld [smem:$0x3FDB];
	s0 =	simm.s32 @p2 $0x1  }
0x17: {  	s4 =	simm.s32 $0x1BF5;
	[smem:$0x3FB9] =	sst s0  }
0x18: {  	s0 =	sld [smem:$0x3F9C];
	_ =	swait.ge [sflag:s4], $0x0  }
0x19: {  	s7 =	sld [smem:$0x3F9D]  }
0x1a: {  	s8 =	sadd.s32 $0xFFFFE003, lr  }
0x1b: {  	s9 =	sadd.s32 $0xFFFFFEF7, lr;
	s5 =	simm.s32 $0xFFFFFFFF;
	p2 =	slt.u32 s8, $0xFFFFF086  }
0x1c: {  	p1 =	slt.u32 s9, $0xF7A;
	s5 =	simm.s32 @!p2 $0x0  }
0x1d: {  	s5 =	simm.s32 @p1 $0x1;
	p0 =	seq.s32 s7, s2  }
0x1e: {  	s7 =	smul.u32 @!p0 $0xF7A, s2;
	p2 =	seq.s32 @!p0 s5, $0x0  }
0x1f: {  	s9 =	smul.u32 $0xF7A, s1;
	s8 =	simm.s32 @!p0 $0x1BF5;
	p2 =	por !p2, p0  }
0x20: {  	[sflag:s8] =	ssyncset.s32 @!p0 $0xFFFFF086;
	s6 =	sadd.s32 @!p0 s3, s7;
	s7 =	simm.s32 @!p0 $0x108  }
0x21: {  	s3 =	sadd.s32 s3, s9;
	s6 =	sadd.s32 @!p0 $0x88, s6;
	s7 =	simm.s32 @p2 $0x1082  }
0x22: {  	[simem:s7], [sflag:s8] =	dma.local @!p0 [hbm:s6], $0xF7A  }
0x23: {  	s9 =	sor.u32 $0xD0000000, s2;
	s6 =	simm.s32 $0x108;
	_ =	swait.ge @!p0 [sflag:s8], $0x0  }
0x24: {  	s3 =	sadd.s32 $0x88, s3;
	s6 =	simm.s32 @!p1 $0x1082;
	[sflag:s4] =	ssyncset.s32 $0xFFFFF086  }
0x25: {  	[simem:s6], [sflag:s4] =	dma.local [hbm:s3], $0xF7A  }
0x26: {  	[smem:$0x3F9D] =	sst s1;
	(tag) =	ssettag s2;
	_ =	strace s9  }
0x27: {  	s1 =	sld [smem:$0x3FAD]  }
0x28: {  	s2 =	sld [smem:$0x3FAE]  }
0x29: {  	s4 =	sld [smem:$0x3FB0]  }
0x2a: {  	p0 =	seq.s32 s5, $0x0;
	s5 =	sld [smem:$0x3FB1]  }
0x2b: {  	s6 =	sld [smem:$0x3FB2]  }
0x2c: {  	s7 =	sld [smem:$0x3FB3]  }
0x2d: {  	s3 =	simm.s32 $0x108;
	s8 =	sld [smem:$0x3FB4]  }
0x2e: {  	s3 =	simm.s32 @!p0 $0x1082;
	s9 =	sld [smem:$0x3FB5]  }
0x2f: {  	lr =	sadd.s32 s0, s3;
	s0 =	sld [smem:$0x3FAC]  }
0x30: {  	s3 =	sld [smem:$0x3FAF]  }
0x31: {  	[smem:$0x3FB8] =	sst s10  }
0x32: {  	s10 =	sld [smem:$0x3FB6];
	_ =	sdelay $0x3  }
0x33: {  	p0 =	seq.s32 s10, $0x1;
	s10 =	sld [smem:$0x3FB8];
	_ =	sdelay $0x3  }
0x34: {  	[smem:$0x3FB8] =	sst s10  }
0x35: {  	s10 =	sld [smem:$0x3FB7];
	_ =	sdelay $0x3  }
0x36: {  	p1 =	seq.s32 s10, $0x1;
	s10 =	sld [smem:$0x3FB8];
	_ =	sdelay $0x3  }
0x37: {  	[smem:$0x3FB8] =	sst s10  }
0x38: {  	s10 =	sld [smem:$0x3FB9]  }
0x39: {  	_ = 	snop;
	(pc) =	sbr.ind lr, $3  }
0x3a: {  	_ = 	snop  }
0x3b: {  	_ = 	snop  }
0x3c: {  	p2 =	seq.s32 s10, $0x1;
	s10 =	sld [smem:$0x3FB8]  }
0x3d: {  	_ =	shalt  }
0x3e: {  	_ =	shalt  }
0x3f: {  	_ =	shalt  }
0x40: {  	_ =	shalt  }
0x41: {  	_ =	shalt  }
0x42: {  	_ =	shalt  }
0x43: {  	_ =	shalt  }
0x44: {  	_ =	shalt  }
0x45: {  	_ =	shalt  }
0x46: {  	_ =	shalt  }
0x47: {  	_ =	shalt  }
0x48: {  	_ =	shalt  }
0x49: {  	_ =	shalt  }
0x4a: {  	_ =	shalt  }
0x4b: {  	_ =	shalt  }
0x4c: {  	_ =	shalt  }
0x4d: {  	_ =	shalt  }
0x4e: {  	_ =	shalt  }
0x4f: {  	_ =	shalt  }
0x50: {  	_ =	shalt  }
0x51: {  	_ =	shalt  }
0x52: {  	_ =	shalt  }
0x53: {  	_ =	shalt  }
0x54: {  	_ =	shalt  }
0x55: {  	_ =	shalt  }
0x56: {  	_ =	shalt  }
0x57: {  	_ =	shalt  }
0x58: {  	_ =	shalt  }
0x59: {  	_ =	shalt  }
0x5a: {  	_ =	shalt  }
0x5b: {  	_ =	shalt  }
0x5c: {  	_ =	shalt  }
0x5d: {  	_ =	shalt  }
0x5e: {  	_ =	shalt  }
0x5f: {  	_ =	shalt  }
0x60: {  	_ =	shalt  }
0x61: {  	_ =	shalt  }
0x62: {  	_ =	shalt  }
0x63: {  	_ =	shalt  }
0x64: {  	_ =	shalt  }
0x65: {  	_ =	shalt  }
0x66: {  	_ =	shalt  }
0x67: {  	_ =	shalt  }
0x68: {  	_ =	shalt  }
0x69: {  	_ =	shalt  }
0x6a: {  	_ =	shalt  }
0x6b: {  	_ =	shalt  }
0x6c: {  	_ =	shalt  }
0x6d: {  	_ =	shalt  }
0x6e: {  	_ =	shalt  }
0x6f: {  	_ =	shalt  }
0x70: {  	_ =	shalt  }
0x71: {  	_ =	shalt  }
0x72: {  	_ =	shalt  }
0x73: {  	_ =	shalt  }
0x74: {  	_ =	shalt  }
0x75: {  	_ =	shalt  }
0x76: {  	_ =	shalt  }
0x77: {  	_ =	shalt  }
0x78: {  	_ =	shalt  }
0x79: {  	_ =	shalt  }
0x7a: {  	_ =	shalt  }
0x7b: {  	_ =	shalt  }
0x7c: {  	_ =	shalt  }
0x7d: {  	_ =	shalt  }
0x7e: {  	_ =	shalt  }
0x7f: {  	_ =	shalt  }
0x80: {  	_ =	shalt  }
0x81: {  	_ =	shalt  }
0x82: {  	_ =	shalt  }
0x83: {  	_ =	shalt  }
0x84: {  	_ =	shalt  }
0x85: {  	_ =	shalt  }
0x86: {  	_ =	shalt  }
0x87: {  	_ =	shalt  }
.Lfunc_end0:
.L_simem_size_0:
called_computation_lowered:
.L_overlay_start_0:
0x88: {  	s2 =	sld [smem:$0x3FD9]  }
0x89: {  	s3 =	sld [smem:$0x3FFE];
	_ =	sdelay $0x1  }
0x8a: {  	s1 =	srdreg.scid  }
0x8b: {  	s0 =	sand.u32 $0x1, s1  }
0x8c: {  	s11 =	sshll.u32 s0, $0xA;
	s2 =	sadd.s32 s3, s2  }
0x8d: {  	s2 =	sadd.s32 s2, s11  }
0x8e: {  	[smem:$0x3FC4] =	sst s2  }
0x8f: {  	_ = 	snop  }
0x90: {  	s12 =	sld [smem:$0x3FC9]  }
0x91: {  	s5 =	sld [smem:$0x3FC8]  }
0x92: {  	s4 =	sld [smem:$0x3FD0];
	(tm) =	ssettm $0x1  }
0x93: {  	s13 =	sld [smem:$0x3FFB];
	_ =	sdelay $0x3  }
0x94: {  	_ =	strace s13  }
0x95: {  	s2 =	sld [smem:$0x3FFC];
	_ =	sdelay $0x3  }
0x96: {  	_ =	strace s2  }
0x97: {  	s2 =	sld [smem:$0x3FFD];
	_ =	sdelay $0x3  }
0x98: {  	_ =	strace s2  }
0x99: {  	_ =	strace $0x8FFFFFFF  }
0x9a: {  	s14 =	sld [smem:$0x3FDB];
	_ =	sdelay $0x1  }
0x9b: {  	s6 =	simm.s32 $_scs_section_size  }
0x9c: {  	s7 =	simm.s32 $_size__tile_task_arg_handler_lowered;
	s8 =	simm.s32 $_tile_task_arg_handler_lowered  }
0x9d: {  	s17 =	simm.s32 $0x1BFF;
	s16 =	sshll.u32 s8, $0x1;
	s6 =	sadd.s32 s6, s14  }
0x9e: {  	s9 =	simm.s32 $0x60;
	s15 =	sshll.u32 s7, $0x1;
	s7 =	sadd.s32 s16, s6  }
0x9f: {  	[timem:s9], [sflag:s17] =	dma.local [hbm:s7], s15  }
0xa0: {  	_ =	swait.ge [sflag:s17], s15  }
0xa1: {  	s18 =	simm.s32 $_tile_overlayer_lowered;
	s2 =	ssub.s32 $0x0, s15;
	[sflag:s17] =	ssyncset.done $0x0  }
0xa2: {  	s19 =	simm.s32 $_size__tile_overlayer_lowered;
	s7 =	sshll.u32 s18, $0x1;
	[sflag:s17] =	ssyncadd.s32 s2  }
0xa3: {  	s21 =	simm.s32 $0x0;
	s20 =	sshll.u32 s19, $0x1;
	s7 =	sadd.s32 s7, s6  }
0xa4: {  	[timem:s21], [sflag:s17] =	dma.local [hbm:s7], s20  }
0xa5: {  	_ =	swait.ge [sflag:s17], s20  }
0xa6: {  	s22 =	ssub.s32 $0x0, s20;
	[sflag:s17] =	ssyncset.done $0x0  }
0xa7: {  	[sflag:s17] =	ssyncadd.s32 s22;
	_ =	sdelay $0x1  }
0xa8: {  	s23 =	simm.s32 $0x1B8B  }
0xa9: {  	_ =	swait.ge [sflag:s23], $0x1  }
0xaa: {  	[sflag:s23] =	ssyncset.done $0x0  }
0xab: {  	s25 =	simm.s32 $0x1B8E;
	s24 =	sld [smem:$0x3FFE];
	[sflag:s23] =	ssyncadd.s32 $0xFFFFFFFF  }
0xac: {  	s26 =	simm.s32 $execute0_lowered;
	[smem:$0x3FD2] =	sst s25  }
0xad: {  	s8 =	sshll.u32 s26, $0x1;
	_ =	strace $0x80000046;
	[dreg:$0x1] =	wrdreg $0xFFFFFFFF  }
0xae: {  	s28 =	simm.s32 $_size_execute0_lowered;
	s6 =	sadd.s32 s6, s8;
	[dreg:$0x0] =	wrdreg $0x0  }
0xaf: {  	s8 =	sshll.u32 s28, $0x1;
	[dreg:$0x2] =	wrdreg s6  }
0xb0: {  	[dreg:$0x3] =	wrdreg s8  }
0xb1: {  	[dreg:$0x4] =	wrdreg $0xC0  }
0xb2: {  	_ =	task [dreg:s21], $0x5FFFF  }
0xb3: {  	[dreg:$0x1] =	wrdreg $0xFFFFFFFF  }
0xb4: {  	[dreg:$0x0] =	wrdreg $0x30  }
0xb5: {  	[dreg:$0x2] =	wrdreg $0x0  }
0xb6: {  	[dreg:$0x3] =	wrdreg $0x102500  }
0xb7: {  	[dreg:$0x4] =	wrdreg $0x102580  }
0xb8: {  	[dreg:$0x5] =	wrdreg $0x102600  }
0xb9: {  	[dreg:$0x6] =	wrdreg $0x9  }
0xba: {  	_ =	task [dreg:s21], $0x7FFFF  }
0xbb: {  	[dreg:$0x1] =	wrdreg $0xFFFFFFFF  }
0xbc: {  	[dreg:$0x0] =	wrdreg $0x60  }
0xbd: {  	[dreg:$0x2] =	wrdreg s5  }
0xbe: {  	[dreg:$0x3] =	wrdreg s12  }
0xbf: {  	[dreg:$0x4] =	wrdreg s4  }
0xc0: {  	[dreg:$0x5] =	wrdreg s24  }
0xc1: {  	[dreg:$0x6] =	wrdreg $0x102000  }
0xc2: {  	[dreg:$0x7] =	wrdreg $0x102080  }
0xc3: {  	[dreg:$0x8] =	wrdreg $0x102100  }
0xc4: {  	[dreg:$0x9] =	wrdreg $0x102180  }
0xc5: {  	[dreg:$0xa] =	wrdreg $0x102200  }
0xc6: {  	[dreg:$0xb] =	wrdreg $0x102280  }
0xc7: {  	[dreg:$0xc] =	wrdreg $0x102300  }
0xc8: {  	[dreg:$0xd] =	wrdreg $0x102380  }
0xc9: {  	[dreg:$0xe] =	wrdreg $0x102400  }
0xca: {  	[dreg:$0xf] =	wrdreg $0x102480  }
0xcb: {  	_ =	task.clear_ibuf [dreg:s21], $0x10FFFF;
	_ =	strace $0x90000046  }
0xcc: {  	s29 =	simm.s32 $0x9;
	_ =	strace $0x80000048  }
0xcd: {  	_ =	swait.ge [sflag:s29], $0x1  }
0xce: {  	[sflag:s29] =	ssyncadd.s32 $0xFFFFFFFF  }
0xcf: {  	_ =	strace $0x90000048  }
0xd0: {  	_ =	sfence  }
0xd1: {  	s30 =	sld [smem:$0x0];
	_ =	sdelay $0x2  }
0xd2: {  	s31 =	sshll.u32 s1, $0xD;
	s1 =	sshrl.u32 s1, $0x2  }
0xd3: {  	s4 =	sand.u32 $0x4000, s31;
	s1 =	sadd.s32 s1, s30  }
0xd4: {  	s0 =	sor.u32 s4, s0;
	s1 =	sshll.u32 s1, $0x11  }
0xd5: {  	s0 =	sor.u32 s1, s0  }
0xd6: {  	s0 =	sadd.s32 $0x8F2B, s0  }
0xd7: {  	[sflag:s0] =	ssyncadd.remote.s32 $0x1  }
0xd8: {  	_ =	sfence.sel $0xFFFF  }
0xd9: {  	[dreg:$0x0] =	wrdreg $0xFFFFFFFF;
	(pc) =	sbr.abs _section_cstart, $3  }
0xda: {  	[dreg:$0x1] =	wrdreg $0xFFFFFFFF  }
0xdb: {  	_ =	task.clear_ibuf [dreg:s21], $0x2FFFF;
	_ =	strace $0x9FFFFFFF  }
0xdc: {  	(tm) =	ssettm $0x7FFFFFFF  }
0xdd: {  	_ =	shalt  }
tec
_tile_task_arg_handler_lowered:
.L_overlay_start_1:
0x0: {  	(tag) =	ssettag $0x1  }
0x1: {  	s0 =	rddreg [dreg:$0x0]  }
0x2: {  	s1 =	rddreg [dreg:$0x1]  }
0x3: {  	s2 =	rddreg [dreg:$0x2]  }
0x4: {  	s3 =	rddreg [dreg:$0x3]  }
0x5: {  	s4 =	rddreg [dreg:$0x4]  }
0x6: {  	s5 =	rddreg [dreg:$0x5]  }
0x7: {  	s6 =	rddreg [dreg:$0x6]  }
0x8: {  	s7 =	rddreg [dreg:$0x7]  }
0x9: {  	s8 =	rddreg [dreg:$0x8]  }
0xa: {  	s9 =	rddreg [dreg:$0x9]  }
0xb: {  	s10 =	rddreg [dreg:$0xa]  }
0xc: {  	s11 =	rddreg [dreg:$0xb]  }
0xd: {  	s12 =	rddreg [dreg:$0xc]  }
0xe: {  	s13 =	rddreg [dreg:$0xd]  }
0xf: {  	[smem:s0] =	sst s1  }
0x10: {  	[smem:s0+$0x1] =	sst s2  }
0x11: {  	[smem:s0+$0x2] =	sst s3  }
0x12: {  	[smem:s0+$0x3] =	sst s4  }
0x13: {  	[smem:s0+$0x4] =	sst s5  }
0x14: {  	[smem:s0+$0x5] =	sst s6  }
0x15: {  	[smem:s0+$0x6] =	sst s7  }
0x16: {  	[smem:s0+$0x7] =	sst s8  }
0x17: {  	[smem:s0+$0x8] =	sst s9  }
0x18: {  	[smem:s0+$0x9] =	sst s10  }
0x19: {  	[smem:s0+$0xA] =	sst s11  }
0x1a: {  	[smem:s0+$0xB] =	sst s12  }
0x1b: {  	[smem:s0+$0xC] =	sst s13;
	_ =	shalt  }
.Lfunc_end2:
execute0_lowered:
.L_overlay_start_2:
0x1c: {  	(tag) =	ssettag $0x2  }
0x1d: {  	s0 =	rddreg [dreg:$0x0]  }
0x1e: {  	s1 =	rddreg [dreg:$0x1]  }
0x1f: {  	s2 =	rddreg [dreg:$0x3]  }
0x20: {  	s6 =	rddreg [dreg:$0x8]  }
0x21: {  	s18 =	rddreg [dreg:$0xa]  }
0x22: {  	s9 =	rddreg [dreg:$0xb]  }
0x23: {  	s7 =	rddreg [dreg:$0xc]  }
0x24: {  	s11 =	rddreg [dreg:$0xd];
	s13 =	simm.s32 $0x0;
	s3 =	srdreg.scid  }
0x25: {  	s12 =	stileid.u32;
	s21 =	simm.s32 $0x2;
	s22 =	simm.s32 $0x400  }
0x26: {  	s23 =	simm.s32 $0x7A1400;
	s24 =	simm.s32 $0x80;
	[smem:$0x7FF] =	sst s13  }
0x27: {  	s25 =	simm.s32 $0x2080;
	s3 =	sand.u32 $0x1, s3;
	s5 =	sld [smem:$0x0]  }
0x28: {  	s8 =	sshll.u32 s12, $0x4;
	p0 =	sgt.s32 s12, $0x8;
	s16 =	sld [smem:$0x1]  }
0x29: {  	s15 =	sshll.u32 s3, $0x3;
	s4 =	sld [smem:$0x2];
	s19 =	ssub.s32 $0x2, s3  }
0x2a: {  	s10 =	sld [smem:$0x3];
	p3 =	sgt.s32 @p0 s12, $0xA;
	s8 =	sor.u32 s15, s8  }
0x2b: {  	s26 =	sshrl.u32 s19, $0x1;
	p4 =	por !p3, !p0;
	s8 =	smin.u32 s8, $0xC0  }
0x2c: {  	p2 =	por p3, !p0;
	s15 =	ssub.s32 s19, s26;
	s8 =	sshrl.u32 s8, $0x3  }
0x2d: {  	p5 =	seq.s32 @!p2 s12, $0x9;
	s19 =	sadd.s32 s1, s8;
	s1 =	simm.s32 @!p4 $0x0  }
0x2e: {  	p2 =	seq.s32 @!p0 s12, $0x6;
	s1 =	simm.s32 @p4 $0x1;
	p4 =	seq.s32 @!p4 s12, $0xB  }
0x2f: {  	p5 =	por @p0 !p5, p3;
	p4 =	por @p0 !p4, !p3;
	p3 =	por p2, p0  }
0x30: {  	[dreg:$0xe] =	wrdreg s10;
	p6 =	seq.s32 @!p3 s12, $0x7;
	p3 =	seq.s32 s3, $0x1  }
0x31: {  	v0 =	vimm.s32 $0x76543210;
	_ =	strace $0x80000047;
	[smem:$0x7F6] =	sst s1;
	s1 =	simm.s32 @!p3 $0x0  }
0x32: {  	s28 =	simm.s32 $0x6080;
	v0 =	vunpack.c.l.s4.s8 v0;
	p1 =	seq.s32 s12, $0x3;
	s1 =	simm.s32 @p3 $0x1  }
0x33: {  	v1 =	vlaneseq.u32;
	s29 =	simm.s32 $0x8080;
	[smem:$0x7F7] =	sst s1;
	s1 =	simm.s32 @!p1 $0x0  }
0x34: {  	s30 =	simm.s32 $0xA080;
	v2 =	vunpack.c.0.s8.s32 v0;
	v0 =	vmul.u32 $0x80, v1;
	p4 =	por !p4, !p0;
	s1 =	simm.s32 @p1 $0x1  }
0x35: {  	s31 =	simm.s32 $0xC080;
	[smem:$0x7F8] =	sst s1;
	s1 =	simm.s32 @!p4 $0x0  }
0x36: {  	vm0 =	vcmask $0x1F00;
	s2 =	sadd.s32 $0x1000, s2;
	v3 =	vor.u32 $0x800, v0;
	v4 =	vor.u32 $0x1000, v0;
	s1 =	simm.s32 @p4 $0x1;
	p4 =	por !p5, !p0  }
0x37: {  	v1 =	vor.u32 $0x1800, v0;
	v5 =	vor.u32 $0x2000, v0;
	v6 =	vor.u32 $0x2800, v0;
	p3 =	seq.s32 @!p1 s12, $0x4;
	[smem:$0x7F9] =	sst s1;
	s1 =	simm.s32 @!p4 $0x0  }
0x38: {  	v7 =	vor.u32 $0x3000, v0;
	v8 =	vor.u32 $0x3800, v0;
	v9 =	vor.u32 $0x4000, v0;
	p3 =	por !p3, p1;
	p1 =	por @!p0 !p6, p2;
	s1 =	simm.s32 @p4 $0x1  }
0x39: {  	v10 =	vor.u32 $0x4800, v0;
	v11 =	vor.u32 $0x5000, v0;
	v12 =	vor.u32 $0x5800, v0;
	p4 =	por !p1, p0;
	p1 =	por !p2, p0;
	p2 =	sgt.s32 s12, $0x2  }
0x3a: {  	s26 =	simm.s32 $0x4080;
	v13 =	vor.u32 $0x6000, v0;
	v14 =	vor.u32 $0x6800, v0;
	v15 =	vor.u32 $0x7000, v0;
	[smem:$0x7FA] =	sst s1;
	s1 =	simm.s32 @!p2 $0x0  }
0x3b: {  	s20 =	smax.u32 s15, $0x1;
	v16 =	vor.u32 $0x7800, v0;
	v17 =	vor.u32 $0x8000, v0;
	v18 =	vor.u32 $0x8800, v0;
	s1 =	simm.s32 @p2 $0x1;
	p2 =	seq.s32 s12, $0x0  }
0x3c: {  	v19 =	vor.u32 $0x9000, v0;
	v20 =	vor.u32 $0x9800, v0;
	v21 =	vor.u32 $0xA000, v0;
	s15 =	simm.s32 $0x10080;
	[smem:$0x7FB] =	sst s1;
	s1 =	simm.s32 @!p2 $0x0  }
0x3d: {  	v22 =	vor.u32 $0xA800, v0;
	v23 =	vor.u32 $0xB000, v0;
	v24 =	vor.u32 $0xB800, v0;
	[dreg:$0xf] =	wrdreg s2;
	s1 =	simm.s32 @p2 $0x1;
	p2 =	seq.s32 s12, $0x1  }
0x3e: {  	v25 =	vor.u32 $0xC000, v0;
	v26 =	vor.u32 $0xC800, v0;
	v27 =	vor.u32 $0xD000, v0;
	s2 =	simm.s32 $0x1;
	[smem:$0x7FC] =	sst s1;
	s1 =	simm.s32 @!p2 $0x0  }
0x3f: {  	v28 =	vor.u32 $0xD800, v0;
	v29 =	vor.u32 $0xE000, v0;
	v30 =	vor.u32 $0xE800, v0;
	s3 =	simm.s32 $0x10100;
	p6 =	sgt.s32 s12, $0x5;
	s1 =	simm.s32 @p2 $0x1  }
0x40: {  	v2 =	vnsel vm0, $0x7, v2;
	v31 =	vor.u32 $0xF000, v0;
	v32 =	vor.u32 $0xF800, v0;
	[tilespmem:$0x1FFF0] =	vst v1;
	p5 =	sgt.u32 s12, $0xC;
	[smem:$0x7FD] =	sst s1;
	s1 =	simm.s32 $0xE080  }
.LBB3_1:
.Ltmp0:
0x41: {  	(pc) =	sbr.rel @p5 .LBB3_9-.Ltmp0, $1  }
0x42: {  	_ =	sdelay $0x3  }
0x43: {  	[tilespmem:s13], [sflag:$0x2] =	stream.linear.gather [hbm4b:s19+s13], $0x8, $0x38;
	[tilespmem:$0x10268] =	vst v63  }
0x44: {  	_ =	swait.ge [sflag:s21], $0x8  }
0x45: {  	[sflag:s21] =	ssyncset.done $0x0  }
0x46: {  	[sflag:s21] =	ssyncadd.s32 $0xFFFFFFF8  }
0x47: {  	v33 =	vld.idx.msk [tilespmem:v2+s13+$0x0], $0xffff;
	_ =	sdelay $0x4  }
0x48: {  	v34 =	vand.u32 $0xFFFFFF80, v33  }
0x49: {  	v34 =	vadd.s32 s0, v34  }
0x4a: {  	(v2sf) =	vpush v34, $0x0;
	_ =	sdelay $0x1  }
0x4b: {  	(v2sf) =	vpush v34, $0x1;
	_ =	sdelay $0x1  }
0x4c: {  	(v2sf) =	vpush v34, $0x2;
	_ =	sdelay $0x1  }
0x4d: {  	(v2sf) =	vpush v34, $0x3;
	_ =	sdelay $0x1  }
0x4e: {  	(v2sf) =	vpush v34, $0x4;
	_ =	sdelay $0x1  }
0x4f: {  	(v2sf) =	vpush v34, $0x5;
	_ =	sdelay $0x1  }
0x50: {  	(v2sf) =	vpush v34, $0x6;
	_ =	sdelay $0x1  }
0x51: {  	(v2sf) =	vpush v34, $0x7  }
0x52: {  	s8 =	spop (v2sf)  }
0x53: {  	[tilespmem:s24], [sflag:$0x1] =	stream.strided.gather [hbm4b:s8+s22], $0x2000, s23, s22, $0x38;
	[tilespmem:$0x10268] =	vst v63  }
0x54: {  	s17 =	spop (v2sf)  }
0x55: {  	[tilespmem:s25], [sflag:$0x1] =	stream.strided.gather [hbm4b:s17+s22], $0x2000, s23, s22, $0x38;
	[tilespmem:$0x10268] =	vst v63  }
0x56: {  	s10 =	spop (v2sf)  }
0x57: {  	[tilespmem:s26], [sflag:$0x1] =	stream.strided.gather [hbm4b:s10+s22], $0x2000, s23, s22, $0x38;
	[tilespmem:$0x10268] =	vst v63  }
0x58: {  	s14 =	spop (v2sf)  }
0x59: {  	[tilespmem:s28], [sflag:$0x1] =	stream.strided.gather [hbm4b:s14+s22], $0x2000, s23, s22, $0x38;
	[tilespmem:$0x10268] =	vst v63  }
0x5a: {  	s17 =	spop (v2sf)  }
0x5b: {  	[tilespmem:s29], [sflag:$0x1] =	stream.strided.gather [hbm4b:s17+s22], $0x2000, s23, s22, $0x38;
	[tilespmem:$0x10268] =	vst v63  }
0x5c: {  	s10 =	spop (v2sf)  }
0x5d: {  	[tilespmem:s30], [sflag:$0x1] =	stream.strided.gather [hbm4b:s10+s22], $0x2000, s23, s22, $0x38;
	[tilespmem:$0x10268] =	vst v63  }
0x5e: {  	s14 =	spop (v2sf)  }
0x5f: {  	[tilespmem:s31], [sflag:$0x1] =	stream.strided.gather [hbm4b:s14+s22], $0x2000, s23, s22, $0x38;
	[tilespmem:$0x10268] =	vst v63  }
0x60: {  	s17 =	spop (v2sf)  }
0x61: {  	[tilespmem:s1], [sflag:$0x1] =	stream.strided.gather [hbm4b:s17+s22], $0x2000, s23, s22, $0x38;
	[tilespmem:$0x10268] =	vst v63  }
0x62: {  	_ =	swait.ge [sflag:s2], $0x2000  }
0x63: {  	[sflag:s2] =	ssyncset.done $0x0  }
0x64: {  	[sflag:s2] =	ssyncadd.s32 $0xFFFFE000  }
0x65: {  	_ =	swait.ge [sflag:s2], $0x2000  }
0x66: {  	[sflag:s2] =	ssyncset.done $0x0  }
0x67: {  	[sflag:s2] =	ssyncadd.s32 $0xFFFFE000  }
0x68: {  	_ =	swait.ge [sflag:s2], $0x2000  }
0x69: {  	[sflag:s2] =	ssyncset.done $0x0  }
0x6a: {  	[sflag:s2] =	ssyncadd.s32 $0xFFFFE000  }
0x6b: {  	_ =	swait.ge [sflag:s2], $0x2000  }
0x6c: {  	[sflag:s2] =	ssyncset.done $0x0  }
0x6d: {  	[sflag:s2] =	ssyncadd.s32 $0xFFFFE000  }
0x6e: {  	_ =	swait.ge [sflag:s2], $0x2000  }
0x6f: {  	[sflag:s2] =	ssyncset.done $0x0  }
0x70: {  	[sflag:s2] =	ssyncadd.s32 $0xFFFFE000  }
0x71: {  	_ =	swait.ge [sflag:s2], $0x2000  }
0x72: {  	v33 =	vand.u32 $0x7F, v33;
	[sflag:s2] =	ssyncset.done $0x0  }
0x73: {  	v60 =	vbroadcast v33, $0x0;
	[sflag:s2] =	ssyncadd.s32 $0xFFFFE000  }
0x74: {  	_ =	swait.ge [sflag:s2], $0x2000  }
0x75: {  	v35 =	vor.u32 v0, v60;
	[sflag:s2] =	ssyncset.done $0x0  }
0x76: {  	v38 =	vbroadcast v33, $0x1;
	v36 =	vor.u32 v3, v60;
	[sflag:s2] =	ssyncadd.s32 $0xFFFFE000  }
0x77: {  	v37 =	vor.u32 v4, v60;
	_ =	swait.ge [sflag:s2], $0x2000  }
0x78: {  	v39 =	vor.u32 v5, v38;
	[sflag:s2] =	ssyncset.done $0x0  }
0x79: {  	v40 =	vor.u32 v6, v38;
	v1 =	vld [tilespmem:$0x1FFF0];
	[sflag:s2] =	ssyncadd.s32 $0xFFFFE000  }
0x7a: {  	v42 =	vbroadcast v33, $0x2;
	v41 =	vor.u32 v7, v38;
	v35 =	vld.idx.msk [tilespmem:v35+s24+$0x0], $0xffff  }
0x7b: {  	v38 =	vor.u32 v8, v38;
	v36 =	vld.idx.msk [tilespmem:v36+s24+$0x0], $0xffff  }
0x7c: {  	v43 =	vor.u32 v9, v42;
	v37 =	vld.idx.msk [tilespmem:v37+s24+$0x0], $0xffff  }
0x7d: {  	v44 =	vor.u32 v10, v42;
	v39 =	vld.idx.msk [tilespmem:v39+s24+$0x0], $0xffff  }
0x7e: {  	v46 =	vbroadcast v33, $0x3;
	v45 =	vor.u32 v11, v42;
	v40 =	vld.idx.msk [tilespmem:v40+s24+$0x0], $0xffff  }
0x7f: {  	v42 =	vor.u32 v12, v42;
	v41 =	vld.idx.msk [tilespmem:v41+s24+$0x0], $0xffff  }
0x80: {  	v47 =	vor.u32 v13, v46;
	v38 =	vld.idx.msk [tilespmem:v38+s24+$0x0], $0xffff  }
0x81: {  	v48 =	vor.u32 v14, v46;
	v43 =	vld.idx.msk [tilespmem:v43+s24+$0x0], $0xffff  }
0x82: {  	v50 =	vbroadcast v33, $0x4;
	v49 =	vor.u32 v15, v46;
	v44 =	vld.idx.msk [tilespmem:v44+s24+$0x0], $0xffff  }
0x83: {  	v46 =	vor.u32 v16, v46;
	v45 =	vld.idx.msk [tilespmem:v45+s24+$0x0], $0xffff  }
0x84: {  	v51 =	vor.u32 v17, v50;
	v42 =	vld.idx.msk [tilespmem:v42+s24+$0x0], $0xffff  }
0x85: {  	v52 =	vor.u32 v18, v50;
	v47 =	vld.idx.msk [tilespmem:v47+s24+$0x0], $0xffff  }
0x86: {  	v54 =	vbroadcast v33, $0x5;
	v53 =	vor.u32 v19, v50;
	v48 =	vld.idx.msk [tilespmem:v48+s24+$0x0], $0xffff  }
0x87: {  	v50 =	vor.u32 v20, v50;
	v49 =	vld.idx.msk [tilespmem:v49+s24+$0x0], $0xffff  }
0x88: {  	v55 =	vor.u32 v21, v54;
	v46 =	vld.idx.msk [tilespmem:v46+s24+$0x0], $0xffff  }
0x89: {  	v56 =	vor.u32 v22, v54;
	v51 =	vld.idx.msk [tilespmem:v51+s24+$0x0], $0xffff  }
0x8a: {  	v58 =	vbroadcast v33, $0x6;
	v57 =	vor.u32 v23, v54;
	v52 =	vld.idx.msk [tilespmem:v52+s24+$0x0], $0xffff  }
0x8b: {  	v33 =	vbroadcast v33, $0x7;
	v54 =	vor.u32 v24, v54;
	v53 =	vld.idx.msk [tilespmem:v53+s24+$0x0], $0xffff  }
0x8c: {  	v59 =	vor.u32 v25, v58;
	v50 =	vld.idx.msk [tilespmem:v50+s24+$0x0], $0xffff  }
0x8d: {  	v62 =	vor.u32 v29, v33;
	v55 =	vld.idx.msk [tilespmem:v55+s24+$0x0], $0xffff  }
0x8e: {  	v56 =	vld.idx.msk [tilespmem:v56+s24+$0x0], $0xffff;
	v34 =	vor.u32 v1, v60  }
0x8f: {  	v63 =	vor.u32 v30, v33;
	v57 =	vld.idx.msk [tilespmem:v57+s24+$0x0], $0xffff  }
0x90: {  	v61 =	vor.u32 v27, v58;
	v54 =	vld.idx.msk [tilespmem:v54+s24+$0x0], $0xffff  }
0x91: {  	v59 =	vld.idx.msk [tilespmem:v59+s24+$0x0], $0xffff;
	v60 =	vor.u32 v26, v58  }
0x92: {  	v62 =	vld.idx.msk [tilespmem:v62+s24+$0x0], $0xffff;
	v1 =	vor.u32 v31, v33  }
0x93: {  	v58 =	vor.u32 v28, v58;
	v34 =	vld.idx.msk [tilespmem:v34+s24+$0x0], $0xffff  }
0x94: {  	v63 =	vld.idx.msk [tilespmem:v63+s24+$0x0], $0xffff;
	v33 =	vor.u32 v32, v33;
	v35 =	vmax.f32 v35, v39  }
0x95: {  	v39 =	vld.idx.msk [tilespmem:v61+s24+$0x0], $0xffff;
	v36 =	vmax.f32 v36, v40;
	v37 =	vmax.f32 v37, v41;
	v35 =	vmax.f32 v35, v43  }
0x96: {  	v36 =	vmax.f32 v36, v44;
	v37 =	vmax.f32 v37, v45;
	v35 =	vmax.f32 v35, v47;
	v60 =	vld.idx.msk [tilespmem:v60+s24+$0x0], $0xffff  }
0x97: {  	v36 =	vmax.f32 v36, v48;
	v37 =	vmax.f32 v37, v49;
	v35 =	vmax.f32 v35, v51;
	v1 =	vld.idx.msk [tilespmem:v1+s24+$0x0], $0xffff  }
0x98: {  	v61 =	vld.idx.msk [tilespmem:v58+s24+$0x0], $0xffff;
	v36 =	vmax.f32 v36, v52;
	v37 =	vmax.f32 v37, v53;
	v34 =	vmax.f32 v34, v38  }
0x99: {  	v33 =	vld.idx.msk [tilespmem:v33+s24+$0x0], $0xffff;
	v35 =	vmax.f32 v35, v55;
	v36 =	vmax.f32 v36, v56;
	v34 =	vmax.f32 v34, v42  }
0x9a: {  	v37 =	vmax.f32 v37, v57;
	v35 =	vmax.f32 v35, v59;
	v34 =	vmax.f32 v34, v46  }
.Ltmp1:
0x9b: {  	v37 =	vmax.f32 v37, v39;
	v35 =	vmax.f32 v35, v62;
	v34 =	vmax.f32 v34, v50;
	(pc) =	sbr.rel @!p6 .LBB3_3-.Ltmp1, $4  }
0x9c: {  	[tilespmem:$0x10080] =	vst v35;
	v36 =	vmax.f32 v36, v60;
	v1 =	vmax.f32 v37, v1;
	v34 =	vmax.f32 v34, v54  }
0x9d: {  	v36 =	vmax.f32 v36, v63;
	[tilespmem:$0x100A0] =	vst v1;
	v34 =	vmax.f32 v34, v61  }
0x9e: {  	[tilespmem:$0x10090] =	vst v36;
	v33 =	vmax.f32 v34, v33  }
0x9f: {  	[tilespmem:$0x100B0] =	vst v33  }
0xa0: {  	s8 =	sld [smem:$0x7F9];
	_ =	sdelay $0x2  }
0xa1: {  	p2 =	seq.s32 s8, $0x1;
	s8 =	sld [smem:$0x7FA]  }
0xa2: {  	[smem:$0x7F5] =	sst s0  }
0xa3: {  	s17 =	smov.u32 s4;
	s0 =	sld [smem:$0x7F6]  }
.Ltmp2:
0xa4: {  	s14 =	smov.u32 s5;
	s10 =	smov.u32 s7;
	(pc) =	sbr.rel .LBB3_8-.Ltmp2, $4  }
0xa5: {  	s10 =	smov.u32 @p4 s9;
	s17 =	smov.u32 @p2 s16;
	p2 =	seq.s32 s8, $0x1  }
0xa6: {  	s8 =	smov.u32 s18;
	s14 =	smov.u32 @p2 s11;
	p2 =	seq.s32 s0, $0x1  }
0xa7: {  	s8 =	smov.u32 @p1 s10;
	s17 =	smov.u32 @p2 s14  }
0xa8: {  	s0 =	sld [smem:$0x7F5];
	s8 =	smov.u32 @p0 s17  }
.LBB3_3:
0xa9: {  	s8 =	sld [smem:$0x7FB];
	_ =	sdelay $0x2  }
0xaa: {  	p2 =	seq.s32 s8, $0x1  }
.Ltmp3:
0xab: {  	_ = 	snop;
	(pc) =	sbr.rel @p2 .LBB3_6-.Ltmp3, $1  }
0xac: {  	_ =	sdelay $0x3  }
0xad: {  	s8 =	sld [smem:$0x7FC];
	_ =	sdelay $0x2  }
0xae: {  	p2 =	seq.s32 s8, $0x1  }
.Ltmp4:
0xaf: {  	_ = 	snop;
	(pc) =	sbr.rel @p2 .LBB3_10-.Ltmp4, $1  }
0xb0: {  	_ =	sdelay $0x3  }
.Ltmp5:
0xb1: {  	s14 =	sld [smem:$0x7FD];
	(pc) =	sbr.rel .LBB3_8-.Ltmp5, $4  }
0xb2: {  	_ = 	snop  }
0xb3: {  	s8 =	rddreg [dreg:$0x6]  }
0xb4: {  	s10 =	rddreg [dreg:$0x5];
	p2 =	seq.s32 s14, $0x1  }
0xb5: {  	s8 =	smov.u32 @p2 s10  }
.LBB3_6:
0xb6: {  	s14 =	sld [smem:$0x7F8];
	_ =	sdelay $0x1  }
0xb7: {  	s8 =	smov.u32 s6;
	s10 =	rddreg [dreg:$0x9];
	p2 =	por p0, p0  }
0xb8: {  	s8 =	smov.u32 @p3 s10;
	s10 =	rddreg [dreg:$0x7];
	p0 =	seq.s32 s14, $0x1  }
0xb9: {  	s8 =	smov.u32 @p0 s10;
	p0 =	por p2, p2  }
.LBB3_8:
0xba: {  	[spmem:s8] =	stream.linear.scatter [tilespmem:s15], [sflag:$0x2], $0x80, $0x38;
	[tilespmem:$0x10268] =	vst v63  }
0xbb: {  	_ =	swait.ge [sflag:s21], $0x80  }
0xbc: {  	[sflag:s21] =	ssyncset.done $0x0  }
0xbd: {  	[sflag:s21] =	ssyncadd.s32 $0xFFFFFF80  }
.LBB3_9:
0xbe: {  	[bflag:$0x0] =	sbarrier.arrive $0xFFFF  }
.LBB3_11:
0xbf: {  	s20 =	sadd.s32 $0xFFFFFFFF, s20  }
0xc0: {  	p2 =	sne.s32 s20, $0x0  }
.Ltmp6:
0xc1: {  	_ = 	snop;
	(pc) =	sbr.rel @p2 .LBB3_1-.Ltmp6, $4  }
.Ltmp7:
0xc2: {  	_ = 	snop;
	(pc) =	sbr.rel @!p2 .LBB3_12-.Ltmp7, $4  }
0xc3: {  	_ = 	snop  }
0xc4: {  	_ = 	snop  }
0xc5: {  	_ = 	snop  }
0xc6: {  	_ = 	snop  }
.LBB3_10:
0xc7: {  	s8 =	rddreg [dreg:$0x4]  }
0xc8: {  	[spmem:s8] =	stream.linear.scatter [tilespmem:s15], [sflag:$0x2], $0x80, $0x38;
	[tilespmem:$0x10268] =	vst v63  }
0xc9: {  	_ =	swait.ge [sflag:s21], $0x80  }
0xca: {  	[sflag:s21] =	ssyncset.done $0x0  }
0xcb: {  	[sflag:s21] =	ssyncadd.s32 $0xFFFFFF80  }
0xcc: {  	[bflag:$0x0] =	sbarrier.arrive $0xFFFF  }
0xcd: {  	[tilespmem:s3], [sflag:$0x2] =	stream.linear.gather [spmem:s8], $0x80, $0x38;
	[tilespmem:$0x10268] =	vst v63  }
0xce: {  	_ =	swait.ge [sflag:s21], $0x80  }
0xcf: {  	[sflag:s21] =	ssyncset.done $0x0  }
0xd0: {  	[sflag:s21] =	ssyncadd.s32 $0xFFFFFF80  }
0xd1: {  	v1 =	vld [tilespmem:$0x10100]  }
0xd2: {  	v34 =	vld [tilespmem:$0x10110]  }
0xd3: {  	v35 =	vld [tilespmem:$0x10120];
	s14 =	rddreg [dreg:$0x5]  }
0xd4: {  	v33 =	vld [tilespmem:$0x10130];
	[tilespmem:s3], [sflag:$0x2] =	stream.linear.gather [spmem:s14], $0x80, $0x38  }
0xd5: {  	_ =	swait.ge [sflag:s21], $0x80  }
0xd6: {  	[sflag:s21] =	ssyncset.done $0x0  }
0xd7: {  	[sflag:s21] =	ssyncadd.s32 $0xFFFFFF80  }
0xd8: {  	v36 =	vld [tilespmem:$0x10120]  }
0xd9: {  	v63 =	vld [tilespmem:$0x10130];
	_ =	sdelay $0x1  }
0xda: {  	v37 =	vld [tilespmem:$0x10100];
	s17 =	rddreg [dreg:$0x6]  }
0xdb: {  	v46 =	vld [tilespmem:$0x10110];
	[tilespmem:s3], [sflag:$0x2] =	stream.linear.gather [spmem:s17], $0x80, $0x38  }
0xdc: {  	[tilespmem:$0x1FF20] =	vst v36  }
0xdd: {  	[tilespmem:$0x1FF30] =	vst v63  }
0xde: {  	_ =	swait.ge [sflag:s21], $0x80  }
0xdf: {  	[sflag:s21] =	ssyncset.done $0x0  }
0xe0: {  	[sflag:s21] =	ssyncadd.s32 $0xFFFFFF80  }
0xe1: {  	v40 =	vld [tilespmem:$0x10100]  }
0xe2: {  	v41 =	vld [tilespmem:$0x10110]  }
0xe3: {  	v42 =	vld [tilespmem:$0x10120]  }
0xe4: {  	v43 =	vld [tilespmem:$0x10130];
	s10 =	rddreg [dreg:$0x7]  }
0xe5: {  	[tilespmem:s3], [sflag:$0x2] =	stream.linear.gather [spmem:s10], $0x80, $0x38;
	[tilespmem:$0x10268] =	vst v63  }
0xe6: {  	[tilespmem:$0x1FF40] =	vst v40  }
0xe7: {  	[tilespmem:$0x1FF50] =	vst v41  }
0xe8: {  	[tilespmem:$0x1FF60] =	vst v42  }
0xe9: {  	[tilespmem:$0x1FF70] =	vst v43  }
0xea: {  	_ =	swait.ge [sflag:s21], $0x80  }
0xeb: {  	[sflag:s21] =	ssyncset.done $0x0  }
0xec: {  	[sflag:s21] =	ssyncadd.s32 $0xFFFFFF80  }
0xed: {  	v44 =	vld [tilespmem:$0x10110]  }
0xee: {  	v45 =	vld [tilespmem:$0x10120]  }
0xef: {  	v48 =	vld [tilespmem:$0x10130];
	_ =	sdelay $0x1  }
0xf0: {  	v47 =	vld [tilespmem:$0x10100];
	[tilespmem:s3], [sflag:$0x2] =	stream.linear.gather [spmem:s6], $0x80, $0x38  }
0xf1: {  	[tilespmem:$0x1FF80] =	vst v44  }
0xf2: {  	[tilespmem:$0x1FF90] =	vst v45  }
0xf3: {  	[tilespmem:$0x1FFA0] =	vst v48  }
0xf4: {  	_ =	swait.ge [sflag:s21], $0x80  }
0xf5: {  	[sflag:s21] =	ssyncset.done $0x0  }
0xf6: {  	[sflag:s21] =	ssyncadd.s32 $0xFFFFFF80  }
0xf7: {  	v49 =	vld [tilespmem:$0x10110]  }
0xf8: {  	v50 =	vld [tilespmem:$0x10120]  }
0xf9: {  	v51 =	vld [tilespmem:$0x10130]  }
0xfa: {  	s14 =	rddreg [dreg:$0x9]  }
0xfb: {  	v54 =	vld [tilespmem:$0x10100];
	[tilespmem:s3], [sflag:$0x2] =	stream.linear.gather [spmem:s14], $0x80, $0x38  }
0xfc: {  	[tilespmem:$0x1FFB0] =	vst v49  }
0xfd: {  	[tilespmem:$0x1FFC0] =	vst v50  }
0xfe: {  	[tilespmem:$0x1FFD0] =	vst v51  }
0xff: {  	_ =	swait.ge [sflag:s21], $0x80  }
0x100: {  	[sflag:s21] =	ssyncset.done $0x0  }
0x101: {  	[sflag:s21] =	ssyncadd.s32 $0xFFFFFF80  }
0x102: {  	v52 =	vld [tilespmem:$0x10120];
	_ =	sdelay $0x1  }
0x103: {  	v49 =	vld [tilespmem:$0x10100]  }
0x104: {  	v53 =	vld [tilespmem:$0x10110]  }
0x105: {  	v55 =	vld [tilespmem:$0x10130];
	[tilespmem:s3], [sflag:$0x2] =	stream.linear.gather [spmem:s18], $0x80, $0x38  }
0x106: {  	[tilespmem:$0x1FFE0] =	vst v52  }
0x107: {  	_ =	swait.ge [sflag:s21], $0x80  }
0x108: {  	[sflag:s21] =	ssyncset.done $0x0  }
0x109: {  	[sflag:s21] =	ssyncadd.s32 $0xFFFFFF80  }
0x10a: {  	v56 =	vld [tilespmem:$0x10100]  }
0x10b: {  	v57 =	vld [tilespmem:$0x10110]  }
0x10c: {  	v58 =	vld [tilespmem:$0x10120]  }
0x10d: {  	v59 =	vld [tilespmem:$0x10130];
	[tilespmem:s3], [sflag:$0x2] =	stream.linear.gather [spmem:s9], $0x80, $0x38  }
0x10e: {  	_ =	swait.ge [sflag:s21], $0x80  }
0x10f: {  	[sflag:s21] =	ssyncset.done $0x0  }
0x110: {  	[sflag:s21] =	ssyncadd.s32 $0xFFFFFF80  }
0x111: {  	v60 =	vld [tilespmem:$0x10100]  }
0x112: {  	v61 =	vld [tilespmem:$0x10110]  }
0x113: {  	v62 =	vld [tilespmem:$0x10120]  }
0x114: {  	v63 =	vld [tilespmem:$0x10130];
	[tilespmem:s3], [sflag:$0x2] =	stream.linear.gather [spmem:s7], $0x80, $0x38  }
0x115: {  	_ =	swait.ge [sflag:s21], $0x80  }
0x116: {  	[sflag:s21] =	ssyncset.done $0x0  }
0x117: {  	[sflag:s21] =	ssyncadd.s32 $0xFFFFFF80  }
0x118: {  	v48 =	vld [tilespmem:$0x10100]  }
0x119: {  	v44 =	vld [tilespmem:$0x10110]  }
0x11a: {  	v52 =	vld [tilespmem:$0x10120]  }
0x11b: {  	v51 =	vld [tilespmem:$0x10130];
	[tilespmem:s3], [sflag:$0x2] =	stream.linear.gather [spmem:s11], $0x80, $0x38  }
0x11c: {  	_ =	swait.ge [sflag:s21], $0x80  }
0x11d: {  	[sflag:s21] =	ssyncset.done $0x0  }
0x11e: {  	[sflag:s21] =	ssyncadd.s32 $0xFFFFFF80  }
0x11f: {  	v39 =	vld [tilespmem:$0x10100]  }
0x120: {  	v43 =	vld [tilespmem:$0x10110]  }
0x121: {  	v42 =	vld [tilespmem:$0x10120]  }
0x122: {  	v50 =	vld [tilespmem:$0x10130];
	[tilespmem:s3], [sflag:$0x2] =	stream.linear.gather [spmem:s5], $0x80, $0x38  }
0x123: {  	_ =	swait.ge [sflag:s21], $0x80  }
0x124: {  	[sflag:s21] =	ssyncset.done $0x0  }
0x125: {  	[sflag:s21] =	ssyncadd.s32 $0xFFFFFF80  }
0x126: {  	v36 =	vld [tilespmem:$0x10100]  }
0x127: {  	v38 =	vld [tilespmem:$0x10110]  }
0x128: {  	v40 =	vld [tilespmem:$0x10120]  }
0x129: {  	v41 =	vld [tilespmem:$0x10130];
	[tilespmem:s3], [sflag:$0x2] =	stream.linear.gather [spmem:s16], $0x80, $0x38  }
0x12a: {  	_ =	swait.ge [sflag:s21], $0x80  }
0x12b: {  	v1 =	vmax.f32 v1, v37;
	v37 =	vmov v4;
	v4 =	vld [tilespmem:$0x1FF30];
	_ =	sdelay $0x4  }
0x12c: {  	v4 =	vmax.f32 v33, v4;
	v33 =	vld [tilespmem:$0x1FF40];
	_ =	sdelay $0x4  }
0x12d: {  	v1 =	vmax.f32 v1, v33;
	v33 =	vld [tilespmem:$0x1FF50];
	_ =	sdelay $0x3  }
0x12e: {  	v45 =	vmov v2;
	v2 =	vmax.f32 v34, v46;
	v46 =	vmov v3;
	v3 =	vld [tilespmem:$0x1FF20]  }
0x12f: {  	v2 =	vmax.f32 v2, v33;
	v33 =	vld [tilespmem:$0x1FF60];
	_ =	sdelay $0x3  }
0x130: {  	v3 =	vmax.f32 v35, v3  }
0x131: {  	v3 =	vmax.f32 v3, v33;
	v33 =	vld [tilespmem:$0x1FF70];
	_ =	sdelay $0x4  }
0x132: {  	v4 =	vmax.f32 v4, v33;
	v33 =	vld [tilespmem:$0x1FF80]  }
0x133: {  	v1 =	vmax.f32 v1, v47  }
0x134: {  	v1 =	vmax.f32 v1, v54;
	v54 =	vld [tilespmem:$0x1FFB0];
	_ =	sdelay $0x2  }
0x135: {  	v2 =	vmax.f32 v2, v33;
	v33 =	vld [tilespmem:$0x1FF90];
	_ =	sdelay $0x1  }
0x136: {  	v2 =	vmax.f32 v2, v54;
	v54 =	vld [tilespmem:$0x1FFC0];
	_ =	sdelay $0x1  }
0x137: {  	[sflag:s21] =	ssyncset.done $0x0  }
0x138: {  	[sflag:s21] =	ssyncadd.s32 $0xFFFFFF80;
	v3 =	vmax.f32 v3, v33;
	v33 =	vld [tilespmem:$0x1FFA0]  }
0x139: {  	v34 =	vld [tilespmem:$0x10110]  }
0x13a: {  	v3 =	vmax.f32 v3, v54;
	v54 =	vld [tilespmem:$0x1FFD0]  }
0x13b: {  	v35 =	vld [tilespmem:$0x10100]  }
0x13c: {  	v47 =	vld [tilespmem:$0x10120]  }
0x13d: {  	v1 =	vmax.f32 v1, v49;
	v4 =	vmax.f32 v4, v33;
	v33 =	vld [tilespmem:$0x10130];
	[tilespmem:s3], [sflag:$0x2] =	stream.linear.gather [spmem:s4], $0x80, $0x38  }
0x13e: {  	v1 =	vmax.f32 v1, v56;
	_ =	swait.ge [sflag:s21], $0x80  }
0x13f: {  	v1 =	vmax.f32 v1, v60;
	v4 =	vmax.f32 v4, v54;
	v54 =	vld [tilespmem:$0x1FFE0]  }
0x140: {  	v1 =	vmax.f32 v1, v48  }
0x141: {  	v1 =	vmax.f32 v1, v39;
	v2 =	vmax.f32 v2, v53;
	[sflag:s21] =	ssyncset.done $0x0  }
0x142: {  	v1 =	vmax.f32 v1, v36;
	v2 =	vmax.f32 v2, v57;
	[sflag:s21] =	ssyncadd.s32 $0xFFFFFF80  }
0x143: {  	v1 =	vmax.f32 v1, v35;
	v2 =	vmax.f32 v2, v61;
	v4 =	vmax.f32 v4, v55;
	v60 =	vld [tilespmem:$0x10100]  }
0x144: {  	v2 =	vmax.f32 v2, v44;
	v4 =	vmax.f32 v4, v59;
	v61 =	vld [tilespmem:$0x10110];
	v3 =	vmax.f32 v3, v54  }
0x145: {  	v2 =	vmax.f32 v2, v43;
	v4 =	vmax.f32 v4, v63;
	v63 =	vld [tilespmem:$0x10130];
	v3 =	vmax.f32 v3, v58  }
0x146: {  	v2 =	vmax.f32 v2, v38;
	v4 =	vmax.f32 v4, v51;
	v3 =	vmax.f32 v3, v62;
	v62 =	vld [tilespmem:$0x10120]  }
0x147: {  	v2 =	vmax.f32 v2, v34;
	v4 =	vmax.f32 v4, v50;
	v3 =	vmax.f32 v3, v52  }
0x148: {  	s17 =	sld [smem:$0x7F7];
	v4 =	vmax.f32 v4, v41;
	v1 =	vmax.f32 v1, v60;
	v3 =	vmax.f32 v3, v42  }
0x149: {  	v2 =	vmax.f32 v2, v61;
	[tilespmem:$0x10180] =	vst v1;
	v1 =	vmax.f32 v4, v33;
	v3 =	vmax.f32 v3, v40  }
0x14a: {  	[tilespmem:$0x10190] =	vst v2;
	v1 =	vmax.f32 v1, v63;
	v3 =	vmax.f32 v3, v47  }
0x14b: {  	p2 =	seq.s32 s17, $0x1;
	[tilespmem:$0x101B0] =	vst v1;
	v3 =	vmax.f32 v3, v62  }
0x14c: {  	s14 =	rddreg [dreg:$0xf];
	s8 =	simm.s32 @p2 $0x0;
	s10 =	simm.s32 @p2 $0x10180;
	[tilespmem:$0x101A0] =	vst v3  }
0x14d: {  	[hbm4b:s14+s8] =	stream.linear.scatter @p2 [tilespmem:s10], [sflag:$0x2], $0x80, $0x38;
	[tilespmem:$0x10268] =	vst v63  }
0x14e: {  	s8 =	simm.s32 @p2 $0x2  }
0x14f: {  	_ =	swait.ge @p2 [sflag:s8], $0x80  }
0x150: {  	[sflag:s8] =	ssyncset.done @p2 $0x0  }
0x151: {  	[sflag:s8] =	ssyncadd.s32 @p2 $0xFFFFFF80  }
0x152: {  	s10 =	simm.s32 @!p2 $0x10180;
	s8 =	simm.s32 @!p2 $0x0;
	s14 =	rddreg [dreg:$0x2]  }
0x153: {  	[hbm4b:s14+s8] =	stream.linear.scatter @!p2 [tilespmem:s10], [sflag:$0x2], $0x80, $0x38;
	[tilespmem:$0x10268] =	vst v63  }
.Ltmp8:
0x154: {  	_ = 	snop;
	(pc) =	sbr.rel .LBB3_11-.Ltmp8, $4  }
0x155: {  	s8 =	simm.s32 @!p2 $0x2  }
0x156: {  	_ =	swait.ge @!p2 [sflag:s8], $0x80  }
0x157: {  	[sflag:s8] =	ssyncset.done @!p2 $0x0  }
0x158: {  	v4 =	vmov v37;
	v2 =	vmov v45;
	v3 =	vmov v46;
	[sflag:s8] =	ssyncadd.s32 @!p2 $0xFFFFFF80  }
.LBB3_12:
0x159: {  	_ =	sfence.sel $0x180000  }
0x15a: {  	[bflag:$0x0] =	sbarrier.arrive $0xFFFF  }
0x15b: {  	_ =	strace $0x90000047  }
0x15c: {  	[bflag:$0x2] =	sbarrier.arrive $0xFFFF  }
0x15d: {  	p0 =	sne.s32 s12, $0x0;
	s0 =	rddreg [dreg:$0xe]  }
0x15e: {  	s0 =	sadd.s32 @!p0 $0x100000, s0  }
0x15f: {  	[sflag:s0] =	ssyncadd.tile.s32 @!p0 $0x1;
	_ =	shalt  }
.Lfunc_end3:
_tile_overlayer_lowered:
.L_overlay_start_3:
0x160: {  	(tag) =	ssettag $0x3  }
0x161: {  	s0 =	rddreg [dreg:$0x0];
	s2 =	stileid.u32  }
0x162: {  	s1 =	rddreg [dreg:$0x1];
	p0 =	sne.s32 s2, $0x0  }
0x163: {  	s3 =	rddreg [dreg:$0x2];
	[bflag:$0x3] =	sbarrier.arrive $0xFFFF;
	s2 =	simm.s32 @!p0 $0x1C02  }
0x164: {  	[timem:s3], [sflag:s2] =	dma.local @!p0 [hbm:s0], s1  }
0x165: {  	s0 =	simm.s32 @!p0 $0x2  }
0x166: {  	_ =	swait.ge @!p0 [sflag:s0], s1  }
0x167: {  	s1 =	ssub.s32 @!p0 $0x0, s1;
	[sflag:s0] =	ssyncset.done @!p0 $0x0  }
0x168: {  	[sflag:s0] =	ssyncadd.s32 @!p0 s1  }
0x169: {  	[bflag:$0x3] =	sbarrier.arrive $0xFFFF  }
0x16a: {  	_ =	shalt  }

</sc_bundles>
